<compile_context>
chip_gen: v7x
topology: tpu7x:2x2x1
jax: 0.10.2.dev20260603
libtpu: 0.0.44.dev20260713+nightly
codegen_flags: <defaults>
</compile_context>

<pallas_src>
import functools

import jax
import jax.numpy as jnp
from jax import lax
from jax.experimental import pallas as pl
from jax.experimental.pallas import tpu as pltpu
from jax.experimental.pallas import tpu_sc as plsc

NC = 2
NS = 16
NW = NC * NS
C = 128
DEGW = 128
SPLIT0 = 0.62


def _mesh():
    return plsc.VectorSubcoreMesh(
        core_axis_name="c", subcore_axis_name="s", num_cores=NC, num_subcores=NS
    )


def _make_deg_kernel(npad, chunks0, chunks1, calloc):
    rows_per_tile = npad // NS
    assert rows_per_tile % 128 == 0

    @functools.partial(
        pl.kernel,
        out_type=jax.ShapeDtypeStruct((NC, npad, DEGW), jnp.float32),
        mesh=_mesh(),
        scratch_types=[
            pltpu.VMEM((calloc, C), jnp.int32),
            pltpu.VMEM((C, DEGW), jnp.float32),
            pltpu.VMEM((C, DEGW), jnp.float32),
            pltpu.VMEM_SHARED((npad, DEGW), jnp.float32),
            pltpu.SemaphoreType.DMA,
            pltpu.SemaphoreType.DMA,
            pltpu.SemaphoreType.DMA,
            pltpu.SemaphoreType.DMA,
        ],
    )
    def deg_kernel(dst_hbm, out_hbm, idx_v, ones_v, zeros_v, acc_sh,
                   s0, s1, s2, s3):
        sems = (s0, s1, s2, s3)
        c = lax.axis_index("c")
        s = lax.axis_index("s")
        w = c * NS + s

        def fill(i, carry):
            for kk in range(DEGW // 16):
                ones_v[i, pl.ds(kk * 16, 16)] = jnp.full((16,), 1.0, jnp.float32)
                zeros_v[i, pl.ds(kk * 16, 16)] = jnp.zeros((16,), jnp.float32)
            return carry

        lax.fori_loop(0, C, fill, 0)

        r0 = s * rows_per_tile

        def zblk(i, carry):
            pltpu.sync_copy(zeros_v, acc_sh.at[pl.ds(r0 + i * C, C)])
            return carry

        lax.fori_loop(0, rows_per_tile // C, zblk, 0)
        plsc.subcore_barrier()

        pltpu.async_copy(dst_hbm.at[w], idx_v, s0).wait()

        def body(j, carry):
            pltpu.sync_copy(ones_v, acc_sh.at[idx_v.at[j]], add=True)
            return carry

        @pl.when(c == 0)
        def _loop0():
            lax.fori_loop(0, chunks0, body, 0)

        @pl.when(c != 0)
        def _loop1():
            lax.fori_loop(0, chunks1, body, 0)

        plsc.subcore_barrier()

        def oblk(i, carry):
            pltpu.sync_copy(
                acc_sh.at[pl.ds(r0 + i * C, C)], out_hbm.at[c, pl.ds(r0 + i * C, C)]
            )
            return carry

        lax.fori_loop(0, rows_per_tile // C, oblk, 0)

    return deg_kernel


def _make_scatter_kernel(npad, chunks0, chunks1, calloc, d):
    rows_per_tile = npad // NS

    @functools.partial(
        pl.kernel,
        out_type=jax.ShapeDtypeStruct((NC, npad, d), jnp.float32),
        mesh=_mesh(),
        scratch_types=[
            pltpu.VMEM((calloc, C), jnp.int32),
            pltpu.VMEM((calloc, C), jnp.int32),
            pltpu.VMEM((C, d), jnp.float32),
            pltpu.VMEM_SHARED((npad, d), jnp.float32),
            pltpu.SemaphoreType.DMA,
        ],
    )
    def scatter_kernel(table_hbm, src_hbm, dst_hbm, out_hbm, src_v, dst_v, buf,
                       acc_sh, sem):
        c = lax.axis_index("c")
        s = lax.axis_index("s")
        w = c * NS + s

        def zrow(i, carry):
            for kk in range(d // 16):
                buf[i, pl.ds(kk * 16, 16)] = jnp.zeros((16,), jnp.float32)
            return carry

        lax.fori_loop(0, C, zrow, 0)

        r0 = s * rows_per_tile

        def zblk(i, carry):
            pltpu.sync_copy(buf, acc_sh.at[pl.ds(r0 + i * C, C)])
            return carry

        lax.fori_loop(0, rows_per_tile // C, zblk, 0)
        plsc.subcore_barrier()

        pltpu.async_copy(src_hbm.at[w], src_v, sem).wait()
        pltpu.async_copy(dst_hbm.at[w], dst_v, sem).wait()

        def body(j, carry):
            pltpu.async_copy(table_hbm.at[src_v.at[j]], buf, sem).wait()
            pltpu.sync_copy(buf, acc_sh.at[dst_v.at[j]], add=True)
            return carry

        @pl.when(c == 0)
        def _loop0():
            lax.fori_loop(0, chunks0, body, 0)

        @pl.when(c != 0)
        def _loop1():
            lax.fori_loop(0, chunks1, body, 0)

        plsc.subcore_barrier()

        def oblk(i, carry):
            pltpu.sync_copy(
                acc_sh.at[pl.ds(r0 + i * C, C)],
                out_hbm.at[c, pl.ds(r0 + i * C, C)],
            )
            return carry

        lax.fori_loop(0, rows_per_tile // C, oblk, 0)

    return scatter_kernel


def _elu(x):
    return jnp.where(x > 0, x, jnp.exp(x) - 1.0)


def _prep_body(x_ref, w1_ref, degp_ref, dinv_ref, hw1s_ref):
    xb = x_ref[...]
    deg = 1.0 + degp_ref[0, :, 0:1] + degp_ref[1, :, 0:1]
    dinv = lax.rsqrt(deg)
    hw = lax.dot_general(
        xb, w1_ref[...], (((0,), (0,)), ((), ())),
        preferred_element_type=jnp.float32,
    )
    hw1s_ref[...] = hw * dinv
    dinv_ref[...] = jnp.broadcast_to(dinv, dinv_ref.shape)


def _mid_body(p_ref, hw1s_ref, dinv_ref, b1_ref, w2_ref, hw2s_ref):
    acc = p_ref[0] + p_ref[1] + hw1s_ref[...]
    dinv = dinv_ref[:, 0:1]
    o = acc * dinv + b1_ref[...]
    h2 = _elu(o)
    hw2 = jnp.dot(h2, w2_ref[...], preferred_element_type=jnp.float32)
    hw2s_ref[...] = hw2 * dinv


def _fin_body(q_ref, hw2s_ref, dinv_ref, b2_ref, wfc_ref, bfc_ref, y_ref):
    acc = q_ref[0] + q_ref[1] + hw2s_ref[...]
    dinv = dinv_ref[:, 0:1]
    o = acc * dinv + b2_ref[...]
    h2 = _elu(o)
    y = jnp.dot(h2, wfc_ref[...], preferred_element_type=jnp.float32) + bfc_ref[...]
    y_ref[...] = y


def _split_edges(idx, n, chunks0, chunks1, calloc):
    m0 = NS * chunks0 * C

    def part(sl, nchunks):
        filled = jnp.concatenate(
            [sl, jnp.full((NS * nchunks * C - sl.shape[0],), n, jnp.int32)]
        ).reshape(NS, nchunks, C)
        tail = jnp.full((NS, calloc - nchunks, C), n, jnp.int32)
        return jnp.concatenate([filled, tail], axis=1)

    return jnp.concatenate(
        [part(idx[:m0], chunks0), part(idx[m0:], chunks1)], axis=0
    )


def kernel(x, edge_index, W1, b1, W2, b2, Wfc, bfc):
    _, d, n = x.shape
    e = edge_index.shape[1]
    npad = ((n + NS * 128 - 1) // (NS * 128)) * (NS * 128)
    bn = 1024
    assert npad % bn == 0 and d % 16 == 0

    e0 = int(e * SPLIT0)
    chunks0 = (e0 + NS * C - 1) // (NS * C)
    chunks1 = (e - NS * chunks0 * C + NS * C - 1) // (NS * C)
    calloc = max(chunks0, chunks1)
    src_p = _split_edges(edge_index[0], n, chunks0, chunks1, calloc)
    dst_p = _split_edges(edge_index[1], n, chunks0, chunks1, calloc)
    x_pad = jnp.pad(x[0], ((0, 0), (0, npad - n)))

    degp = _make_deg_kernel(npad, chunks0, chunks1, calloc)(dst_p)

    grid = (npad // bn,)
    dinv, hw1s = pl.pallas_call(
        _prep_body,
        grid=grid,
        in_specs=[
            pl.BlockSpec((d, bn), lambda i: (0, i)),
            pl.BlockSpec((d, d), lambda i: (0, 0)),
            pl.BlockSpec((2, bn, DEGW), lambda i: (0, i, 0)),
        ],
        out_specs=[
            pl.BlockSpec((bn, 8), lambda i: (i, 0)),
            pl.BlockSpec((bn, d), lambda i: (i, 0)),
        ],
        out_shape=[
            jax.ShapeDtypeStruct((npad, 8), jnp.float32),
            jax.ShapeDtypeStruct((npad, d), jnp.float32),
        ],
    )(x_pad, W1, degp)

    p1 = _make_scatter_kernel(npad, chunks0, chunks1, calloc, d)(hw1s, src_p, dst_p)

    hw2s = pl.pallas_call(
        _mid_body,
        grid=grid,
        in_specs=[
            pl.BlockSpec((2, bn, d), lambda i: (0, i, 0)),
            pl.BlockSpec((bn, d), lambda i: (i, 0)),
            pl.BlockSpec((bn, 8), lambda i: (i, 0)),
            pl.BlockSpec((1, d), lambda i: (0, 0)),
            pl.BlockSpec((d, d), lambda i: (0, 0)),
        ],
        out_specs=pl.BlockSpec((bn, d), lambda i: (i, 0)),
        out_shape=jax.ShapeDtypeStruct((npad, d), jnp.float32),
    )(p1, hw1s, dinv, b1.reshape(1, d), W2)

    p2 = _make_scatter_kernel(npad, chunks0, chunks1, calloc, d)(hw2s, src_p, dst_p)

    y = pl.pallas_call(
        _fin_body,
        grid=grid,
        in_specs=[
            pl.BlockSpec((2, bn, d), lambda i: (0, i, 0)),
            pl.BlockSpec((bn, d), lambda i: (i, 0)),
            pl.BlockSpec((bn, 8), lambda i: (i, 0)),
            pl.BlockSpec((1, d), lambda i: (0, 0)),
            pl.BlockSpec((d, 1), lambda i: (0, 0)),
            pl.BlockSpec((1, 1), lambda i: (0, 0)),
        ],
        out_specs=pl.BlockSpec((bn, 1), lambda i: (i, 0)),
        out_shape=jax.ShapeDtypeStruct((npad, 1), jnp.float32),
    )(p2, hw2s, dinv, b2.reshape(1, d), Wfc, bfc.reshape(1, 1))

    return y[:n, 0].reshape(1, 1, 1, n)

# --- scband reference (transcript-rebuilt; emitter-appended) ---
"""Pipeline reference for scband-baseline-gcn-84155589198011 (READ-ONLY COPY).

The authoritative reference and input builder live on the scoring server;
editing this copy changes nothing except your own understanding.
"""

import jax, jax.numpy as jnp
import numpy as np

N = 10000
E = 320000
D = 128

def setup_inputs(seed: int = 0) -> dict:
    key = jax.random.key(seed)
    ks = jax.random.split(key, 8)
    x = jax.random.normal(ks[0], (1, D, N), dtype=jnp.float32)
    edge_index = jax.random.randint(ks[1], (2, E), 0, N, dtype=jnp.int32)
    W1 = jax.random.normal(ks[2], (D, D), dtype=jnp.float32) * 0.05
    b1 = jnp.zeros((D,), dtype=jnp.float32)
    W2 = jax.random.normal(ks[3], (D, D), dtype=jnp.float32) * 0.05
    b2 = jnp.zeros((D,), dtype=jnp.float32)
    Wfc = jax.random.normal(ks[4], (D, 1), dtype=jnp.float32) * 0.05
    bfc = jnp.zeros((1,), dtype=jnp.float32)
    return {"x": x, "edge_index": edge_index, "W1": W1, "b1": b1, "W2": W2, "b2": b2, "Wfc": Wfc, "bfc": bfc}


def _gcn_conv(h, edge_index, W, b, num_nodes):
    # PyG GCNConv: x' = D^{-1/2} (A + I) D^{-1/2} (x W) + b
    src = edge_index[0]
    dst = edge_index[1]
    loop = jnp.arange(num_nodes, dtype=src.dtype)
    src = jnp.concatenate([src, loop])
    dst = jnp.concatenate([dst, loop])
    deg = jnp.zeros((num_nodes,), dtype=h.dtype).at[dst].add(1.0)
    dinv = jnp.where(deg > 0, jax.lax.rsqrt(jnp.maximum(deg, 1e-12)), 0.0)
    norm = dinv[src] * dinv[dst]
    hw = h @ W
    msg = hw[src] * norm[:, None]
    out = jax.ops.segment_sum(msg, dst, num_segments=num_nodes)
    return out + b


def reference(x, edge_index, W1, b1, W2, b2, Wfc, bfc):
    batch_size, embedding_dim, n_nodes = x.shape
    h = jnp.transpose(x, (0, 2, 1)).reshape(batch_size * n_nodes, embedding_dim)
    h = _gcn_conv(h, edge_index, W1, b1, batch_size * n_nodes)
    h = jax.nn.elu(h)
    # dropout is identity in eval mode
    h = _gcn_conv(h, edge_index, W2, b2, batch_size * n_nodes)
    h = jax.nn.elu(h)
    h = h @ Wfc + bfc
    h = h.reshape(batch_size, n_nodes, 1)
    h = jnp.transpose(h, (0, 2, 1))[:, :, None, :]
    return h

if __name__ == "__main__":
    import jax
    _d = setup_inputs()
    print(jax.jit(kernel)(*tuple(_d.values())))

</pallas_src>

<mosaic_0001>
#map = affine_map<(d0, d1) -> (0, 0)>
#map1 = affine_map<(d0, d1) -> (0, 0, 0)>
module attributes {stable_mosaic.version = 14 : i64} {
  func.func @scatter_kernel(%arg0: i32, %arg1: i32, %arg2: memref<10240x128xf32, #tpu.memory_space<hbm>>, %arg3: memref<32x97x128xi32, #tpu.memory_space<hbm>>, %arg4: memref<32x97x128xi32, #tpu.memory_space<hbm>>, %arg5: memref<2x10240x128xf32, #tpu.memory_space<hbm>>, %arg6: memref<97x128xi32, #tpu.memory_space<vmem>>, %arg7: memref<97x128xi32, #tpu.memory_space<vmem>>, %arg8: memref<128x128xf32, #tpu.memory_space<vmem>>, %arg9: memref<10240x128xf32, #tpu.memory_space<vmem_shared>>, %arg10: memref<!tpu.dma_semaphore, #tpu.memory_space<semaphore_mem>>) attributes {dimension_semantics = [#tpu.dimension_semantics<core_parallel>, #tpu.dimension_semantics<subcore_parallel>], iteration_bounds = array<i64: 2, 16>, scalar_prefetch = 0 : i64, scratch_operands = 5 : i64, tpu.core_type = #tpu.core_type<sc_vector_subcore>, window_params = [{transform_indices = #map}, {transform_indices = #map1}, {transform_indices = #map1}, {transform_indices = #map1}]} {
    %mul3A = arith.constant 16 : i32
    %mul3A_0 = arith.muli %arg0, %mul3A : i32
    %add3A = arith.addi %mul3A_0, %arg1 : i32
    %scan3A = arith.constant 0 : i32
    %scan3A_1 = arith.constant 0 : i32
    %scan3A_2 = arith.constant 128 : i32
    %scan3A_3 = arith.addi %scan3A_1, %scan3A_2 : i32
    %scan3A_4 = arith.constant 1 : i32
    scf.for %scan3A_57 = %scan3A_1 to %scan3A_3 step %scan3A_4  : i32 {
      %broadcast_in_dim3A = arith.constant 0.000000e+00 : f32
      %broadcast_in_dim3A_58 = vector.broadcast %broadcast_in_dim3A : f32 to vector<16xf32>
      %swap3A = arith.index_cast %scan3A_57 : i32 to index
      %swap3A_59 = arith.constant 0 : index
      %swap3A_60 = tpu.vector_load %arg8[%swap3A, %swap3A_59] {strides = array<i32>} : memref<128x128xf32, #tpu.memory_space<vmem>>, vector<1x16xf32>,
      %swap3A_61 = vector.shape_cast %swap3A_60 : vector<1x16xf32> to vector<16xf32>
      %swap3A_62 = vector.shape_cast %broadcast_in_dim3A_58 : vector<16xf32> to vector<1x16xf32>
      tpu.vector_store %arg8[%swap3A, %swap3A_59], %swap3A_62 {strides = array<i32>} : memref<128x128xf32, #tpu.memory_space<vmem>>, vector<1x16xf32>,
      %broadcast_in_dim3A_63 = arith.constant 0.000000e+00 : f32
      %broadcast_in_dim3A_64 = vector.broadcast %broadcast_in_dim3A_63 : f32 to vector<16xf32>
      %swap3A_65 = arith.index_cast %scan3A_57 : i32 to index
      %swap3A_66 = arith.constant 16 : index
      %swap3A_67 = tpu.vector_load %arg8[%swap3A_65, %swap3A_66] {strides = array<i32>} : memref<128x128xf32, #tpu.memory_space<vmem>>, vector<1x16xf32>,
      %swap3A_68 = vector.shape_cast %swap3A_67 : vector<1x16xf32> to vector<16xf32>
      %swap3A_69 = vector.shape_cast %broadcast_in_dim3A_64 : vector<16xf32> to vector<1x16xf32>
      tpu.vector_store %arg8[%swap3A_65, %swap3A_66], %swap3A_69 {strides = array<i32>} : memref<128x128xf32, #tpu.memory_space<vmem>>, vector<1x16xf32>,
      %broadcast_in_dim3A_70 = arith.constant 0.000000e+00 : f32
      %broadcast_in_dim3A_71 = vector.broadcast %broadcast_in_dim3A_70 : f32 to vector<16xf32>
      %swap3A_72 = arith.index_cast %scan3A_57 : i32 to index
      %swap3A_73 = arith.constant 32 : index
      %swap3A_74 = tpu.vector_load %arg8[%swap3A_72, %swap3A_73] {strides = array<i32>} : memref<128x128xf32, #tpu.memory_space<vmem>>, vector<1x16xf32>,
      %swap3A_75 = vector.shape_cast %swap3A_74 : vector<1x16xf32> to vector<16xf32>
      %swap3A_76 = vector.shape_cast %broadcast_in_dim3A_71 : vector<16xf32> to vector<1x16xf32>
      tpu.vector_store %arg8[%swap3A_72, %swap3A_73], %swap3A_76 {strides = array<i32>} : memref<128x128xf32, #tpu.memory_space<vmem>>, vector<1x16xf32>,
      %broadcast_in_dim3A_77 = arith.constant 0.000000e+00 : f32
      %broadcast_in_dim3A_78 = vector.broadcast %broadcast_in_dim3A_77 : f32 to vector<16xf32>
      %swap3A_79 = arith.index_cast %scan3A_57 : i32 to index
      %swap3A_80 = arith.constant 48 : index
      %swap3A_81 = tpu.vector_load %arg8[%swap3A_79, %swap3A_80] {strides = array<i32>} : memref<128x128xf32, #tpu.memory_space<vmem>>, vector<1x16xf32>,
      %swap3A_82 = vector.shape_cast %swap3A_81 : vector<1x16xf32> to vector<16xf32>
      %swap3A_83 = vector.shape_cast %broadcast_in_dim3A_78 : vector<16xf32> to vector<1x16xf32>
      tpu.vector_store %arg8[%swap3A_79, %swap3A_80], %swap3A_83 {strides = array<i32>} : memref<128x128xf32, #tpu.memory_space<vmem>>, vector<1x16xf32>,
      %broadcast_in_dim3A_84 = arith.constant 0.000000e+00 : f32
      %broadcast_in_dim3A_85 = vector.broadcast %broadcast_in_dim3A_84 : f32 to vector<16xf32>
      %swap3A_86 = arith.index_cast %scan3A_57 : i32 to index
      %swap3A_87 = arith.constant 64 : index
      %swap3A_88 = tpu.vector_load %arg8[%swap3A_86, %swap3A_87] {strides = array<i32>} : memref<128x128xf32, #tpu.memory_space<vmem>>, vector<1x16xf32>,
      %swap3A_89 = vector.shape_cast %swap3A_88 : vector<1x16xf32> to vector<16xf32>
      %swap3A_90 = vector.shape_cast %broadcast_in_dim3A_85 : vector<16xf32> to vector<1x16xf32>
      tpu.vector_store %arg8[%swap3A_86, %swap3A_87], %swap3A_90 {strides = array<i32>} : memref<128x128xf32, #tpu.memory_space<vmem>>, vector<1x16xf32>,
      %broadcast_in_dim3A_91 = arith.constant 0.000000e+00 : f32
      %broadcast_in_dim3A_92 = vector.broadcast %broadcast_in_dim3A_91 : f32 to vector<16xf32>
      %swap3A_93 = arith.index_cast %scan3A_57 : i32 to index
      %swap3A_94 = arith.constant 80 : index
      %swap3A_95 = tpu.vector_load %arg8[%swap3A_93, %swap3A_94] {strides = array<i32>} : memref<128x128xf32, #tpu.memory_space<vmem>>, vector<1x16xf32>,
      %swap3A_96 = vector.shape_cast %swap3A_95 : vector<1x16xf32> to vector<16xf32>
      %swap3A_97 = vector.shape_cast %broadcast_in_dim3A_92 : vector<16xf32> to vector<1x16xf32>
      tpu.vector_store %arg8[%swap3A_93, %swap3A_94], %swap3A_97 {strides = array<i32>} : memref<128x128xf32, #tpu.memory_space<vmem>>, vector<1x16xf32>,
      %broadcast_in_dim3A_98 = arith.constant 0.000000e+00 : f32
      %broadcast_in_dim3A_99 = vector.broadcast %broadcast_in_dim3A_98 : f32 to vector<16xf32>
      %swap3A_100 = arith.index_cast %scan3A_57 : i32 to index
      %swap3A_101 = arith.constant 96 : index
      %swap3A_102 = tpu.vector_load %arg8[%swap3A_100, %swap3A_101] {strides = array<i32>} : memref<128x128xf32, #tpu.memory_space<vmem>>, vector<1x16xf32>,
      %swap3A_103 = vector.shape_cast %swap3A_102 : vector<1x16xf32> to vector<16xf32>
      %swap3A_104 = vector.shape_cast %broadcast_in_dim3A_99 : vector<16xf32> to vector<1x16xf32>
      tpu.vector_store %arg8[%swap3A_100, %swap3A_101], %swap3A_104 {strides = array<i32>} : memref<128x128xf32, #tpu.memory_space<vmem>>, vector<1x16xf32>,
      %broadcast_in_dim3A_105 = arith.constant 0.000000e+00 : f32
      %broadcast_in_dim3A_106 = vector.broadcast %broadcast_in_dim3A_105 : f32 to vector<16xf32>
      %swap3A_107 = arith.index_cast %scan3A_57 : i32 to index
      %swap3A_108 = arith.constant 112 : index
      %swap3A_109 = tpu.vector_load %arg8[%swap3A_107, %swap3A_108] {strides = array<i32>} : memref<128x128xf32, #tpu.memory_space<vmem>>, vector<1x16xf32>,
      %swap3A_110 = vector.shape_cast %swap3A_109 : vector<1x16xf32> to vector<16xf32>
      %swap3A_111 = vector.shape_cast %broadcast_in_dim3A_106 : vector<16xf32> to vector<1x16xf32>
      tpu.vector_store %arg8[%swap3A_107, %swap3A_108], %swap3A_111 {strides = array<i32>} : memref<128x128xf32, #tpu.memory_space<vmem>>, vector<1x16xf32>,
    }
    %scan3A_5 = arith.constant 128 : i32
    %mul3A_6 = arith.constant 640 : i32
    %mul3A_7 = arith.muli %arg1, %mul3A_6 : i32
    %scan3A_8 = arith.constant 0 : i32
    %scan3A_9 = arith.constant 0 : i32
    %scan3A_10 = arith.constant 5 : i32
    %scan3A_11 = arith.addi %scan3A_9, %scan3A_10 : i32
    %scan3A_12 = arith.constant 1 : i32
    scf.for %scan3A_57 = %scan3A_9 to %scan3A_11 step %scan3A_12  : i32 {
      %mul3A_58 = arith.constant 128 : i32
      %mul3A_59 = arith.muli %scan3A_57, %mul3A_58 : i32
      %add3A_60 = arith.addi %mul3A_7, %mul3A_59 : i32
      "tpu.region"() ({
        %run_scoped3A = tpu.sem_alloc : memref<!tpu.dma_semaphore, #tpu.memory_space<semaphore_mem>>
        %dma_start3A_61 = arith.constant 0 : i32
        %dma_start3A_62 = tpu.memref_slice %arg9[%add3A_60, %dma_start3A_61] : memref<10240x128xf32, #tpu.memory_space<vmem_shared>> -> memref<128x128xf32, #tpu.memory_space<vmem_shared>>
        %dma_start3A_63 = arith.constant 0 : i32
        %dma_start3A_64 = tpu.memref_slice %arg9[%add3A_60, %dma_start3A_63] : memref<10240x128xf32, #tpu.memory_space<vmem_shared>> -> memref<128x128xf32, #tpu.memory_space<vmem_shared>>
        tpu.enqueue_dma source(%arg8 : memref<128x128xf32, #tpu.memory_space<vmem>>) target(%dma_start3A_64 : memref<128x128xf32, #tpu.memory_space<vmem_shared>>) target_semaphore(%run_scoped3A : memref<!tpu.dma_semaphore, #tpu.memory_space<semaphore_mem>>)
        %dma_wait3A_65 = arith.constant 0 : i32
        %dma_wait3A_66 = tpu.memref_slice %arg9[%add3A_60, %dma_wait3A_65] : memref<10240x128xf32, #tpu.memory_space<vmem_shared>> -> memref<128x128xf32, #tpu.memory_space<vmem_shared>>
        %dma_wait3A_67 = arith.constant 0 : i32
        %dma_wait3A_68 = tpu.memref_slice %arg9[%add3A_60, %dma_wait3A_67] : memref<10240x128xf32, #tpu.memory_space<vmem_shared>> -> memref<128x128xf32, #tpu.memory_space<vmem_shared>>
        tpu.wait_dma2 semaphore(%run_scoped3A : memref<!tpu.dma_semaphore, #tpu.memory_space<semaphore_mem>>) src(%arg8 : memref<128x128xf32, #tpu.memory_space<vmem>>) dst(%dma_wait3A_68 : memref<128x128xf32, #tpu.memory_space<vmem_shared>>)
        tpu.yield
      }) : () -> ()
    }
    %scan3A_13 = arith.constant 5 : i32
    %barrier3A = arith.constant 0 : index
    tpu.barrier barrier_id(%barrier3A)
    %dma_start3A = arith.constant 0 : i32
    %dma_start3A_14 = arith.constant 0 : i32
    %dma_start3A_15 = tpu.memref_slice %arg3[%add3A, %dma_start3A, %dma_start3A_14] : memref<32x97x128xi32, #tpu.memory_space<hbm>> -> memref<1x97x128xi32, #tpu.memory_space<hbm>>
    %dma_start3A_16 = tpu.memref_squeeze %dma_start3A_15 : memref<1x97x128xi32, #tpu.memory_space<hbm>> -> memref<97x128xi32, #tpu.memory_space<hbm>>
    %dma_start3A_17 = arith.constant 0 : i32
    %dma_start3A_18 = arith.constant 0 : i32
    %dma_start3A_19 = tpu.memref_slice %arg3[%add3A, %dma_start3A_17, %dma_start3A_18] : memref<32x97x128xi32, #tpu.memory_space<hbm>> -> memref<1x97x128xi32, #tpu.memory_space<hbm>>
    %dma_start3A_20 = tpu.memref_squeeze %dma_start3A_19 : memref<1x97x128xi32, #tpu.memory_space<hbm>> -> memref<97x128xi32, #tpu.memory_space<hbm>>
    tpu.enqueue_dma source(%dma_start3A_20 : memref<97x128xi32, #tpu.memory_space<hbm>>) target(%arg6 : memref<97x128xi32, #tpu.memory_space<vmem>>) target_semaphore(%arg10 : memref<!tpu.dma_semaphore, #tpu.memory_space<semaphore_mem>>)
    %dma_wait3A = arith.constant 0 : i32
    %dma_wait3A_21 = arith.constant 0 : i32
    %dma_wait3A_22 = tpu.memref_slice %arg3[%add3A, %dma_wait3A, %dma_wait3A_21] : memref<32x97x128xi32, #tpu.memory_space<hbm>> -> memref<1x97x128xi32, #tpu.memory_space<hbm>>
    %dma_wait3A_23 = tpu.memref_squeeze %dma_wait3A_22 : memref<1x97x128xi32, #tpu.memory_space<hbm>> -> memref<97x128xi32, #tpu.memory_space<hbm>>
    %dma_wait3A_24 = arith.constant 0 : i32
    %dma_wait3A_25 = arith.constant 0 : i32
    %dma_wait3A_26 = tpu.memref_slice %arg3[%add3A, %dma_wait3A_24, %dma_wait3A_25] : memref<32x97x128xi32, #tpu.memory_space<hbm>> -> memref<1x97x128xi32, #tpu.memory_space<hbm>>
    %dma_wait3A_27 = tpu.memref_squeeze %dma_wait3A_26 : memref<1x97x128xi32, #tpu.memory_space<hbm>> -> memref<97x128xi32, #tpu.memory_space<hbm>>
    tpu.wait_dma2 semaphore(%arg10 : memref<!tpu.dma_semaphore, #tpu.memory_space<semaphore_mem>>) src(%dma_wait3A_27 : memref<97x128xi32, #tpu.memory_space<hbm>>) dst(%arg6 : memref<97x128xi32, #tpu.memory_space<vmem>>)
    %dma_start3A_28 = arith.constant 0 : i32
    %dma_start3A_29 = arith.constant 0 : i32
    %dma_start3A_30 = tpu.memref_slice %arg4[%add3A, %dma_start3A_28, %dma_start3A_29] : memref<32x97x128xi32, #tpu.memory_space<hbm>> -> memref<1x97x128xi32, #tpu.memory_space<hbm>>
    %dma_start3A_31 = tpu.memref_squeeze %dma_start3A_30 : memref<1x97x128xi32, #tpu.memory_space<hbm>> -> memref<97x128xi32, #tpu.memory_space<hbm>>
    %dma_start3A_32 = arith.constant 0 : i32
    %dma_start3A_33 = arith.constant 0 : i32
    %dma_start3A_34 = tpu.memref_slice %arg4[%add3A, %dma_start3A_32, %dma_start3A_33] : memref<32x97x128xi32, #tpu.memory_space<hbm>> -> memref<1x97x128xi32, #tpu.memory_space<hbm>>
    %dma_start3A_35 = tpu.memref_squeeze %dma_start3A_34 : memref<1x97x128xi32, #tpu.memory_space<hbm>> -> memref<97x128xi32, #tpu.memory_space<hbm>>
    tpu.enqueue_dma source(%dma_start3A_35 : memref<97x128xi32, #tpu.memory_space<hbm>>) target(%arg7 : memref<97x128xi32, #tpu.memory_space<vmem>>) target_semaphore(%arg10 : memref<!tpu.dma_semaphore, #tpu.memory_space<semaphore_mem>>)
    %dma_wait3A_36 = arith.constant 0 : i32
    %dma_wait3A_37 = arith.constant 0 : i32
    %dma_wait3A_38 = tpu.memref_slice %arg4[%add3A, %dma_wait3A_36, %dma_wait3A_37] : memref<32x97x128xi32, #tpu.memory_space<hbm>> -> memref<1x97x128xi32, #tpu.memory_space<hbm>>
    %dma_wait3A_39 = tpu.memref_squeeze %dma_wait3A_38 : memref<1x97x128xi32, #tpu.memory_space<hbm>> -> memref<97x128xi32, #tpu.memory_space<hbm>>
    %dma_wait3A_40 = arith.constant 0 : i32
    %dma_wait3A_41 = arith.constant 0 : i32
    %dma_wait3A_42 = tpu.memref_slice %arg4[%add3A, %dma_wait3A_40, %dma_wait3A_41] : memref<32x97x128xi32, #tpu.memory_space<hbm>> -> memref<1x97x128xi32, #tpu.memory_space<hbm>>
    %dma_wait3A_43 = tpu.memref_squeeze %dma_wait3A_42 : memref<1x97x128xi32, #tpu.memory_space<hbm>> -> memref<97x128xi32, #tpu.memory_space<hbm>>
    tpu.wait_dma2 semaphore(%arg10 : memref<!tpu.dma_semaphore, #tpu.memory_space<semaphore_mem>>) src(%dma_wait3A_43 : memref<97x128xi32, #tpu.memory_space<hbm>>) dst(%arg7 : memref<97x128xi32, #tpu.memory_space<vmem>>)
    %eq3A = arith.constant 0 : i32
    %eq3A_44 = arith.cmpi eq, %arg0, %eq3A : i32
    %convert_element_type3A = arith.extui %eq3A_44 : i1 to i32
    %cond3A = arith.constant 0 : i32
    %cond3A_45 = arith.cmpi ne, %convert_element_type3A, %cond3A : i32
    scf.if %cond3A_45 {
      %scan3A_57 = arith.constant 0 : i32
      %scan3A_58 = arith.constant 0 : i32
      %scan3A_59 = arith.constant 97 : i32
      %scan3A_60 = arith.addi %scan3A_58, %scan3A_59 : i32
      %scan3A_61 = arith.constant 1 : i32
      scf.for %scan3A_63 = %scan3A_58 to %scan3A_60 step %scan3A_61  : i32 {
        %dma_start3A_64 = arith.constant 0 : i32
        %dma_start3A_65 = tpu.memref_slice %arg6[%scan3A_63, %dma_start3A_64] : memref<97x128xi32, #tpu.memory_space<vmem>> -> memref<1x128xi32, #tpu.memory_space<vmem>>
        %dma_start3A_66 = tpu.memref_squeeze %dma_start3A_65 : memref<1x128xi32, #tpu.memory_space<vmem>> -> memref<128xi32, #tpu.memory_space<vmem>>
        %dma_start3A_67 = arith.constant 0 : i32
        %dma_start3A_68 = arith.constant 0 : i32
        %dma_start3A_69 = tpu.memref_slice %arg2[%dma_start3A_67, %dma_start3A_68] : memref<10240x128xf32, #tpu.memory_space<hbm>> -> memref<10240x128xf32, #tpu.memory_space<hbm>>
        tpu.enqueue_indirect_dma source(%dma_start3A_69 : memref<10240x128xf32, #tpu.memory_space<hbm>>) target(%arg8 : memref<128x128xf32, #tpu.memory_space<vmem>>) offsets(%dma_start3A_66 : memref<128xi32, #tpu.memory_space<vmem>>) semaphore(%arg10 : memref<!tpu.dma_semaphore, #tpu.memory_space<semaphore_mem>>)
        %dma_wait3A_70 = arith.constant 0 : i32
        %dma_wait3A_71 = tpu.memref_slice %arg6[%scan3A_63, %dma_wait3A_70] : memref<97x128xi32, #tpu.memory_space<vmem>> -> memref<1x128xi32, #tpu.memory_space<vmem>>
        %dma_wait3A_72 = tpu.memref_squeeze %dma_wait3A_71 : memref<1x128xi32, #tpu.memory_space<vmem>> -> memref<128xi32, #tpu.memory_space<vmem>>
        %dma_wait3A_73 = arith.constant 0 : i32
        %dma_wait3A_74 = arith.constant 0 : i32
        %dma_wait3A_75 = tpu.memref_slice %arg2[%dma_wait3A_73, %dma_wait3A_74] : memref<10240x128xf32, #tpu.memory_space<hbm>> -> memref<10240x128xf32, #tpu.memory_space<hbm>>
        tpu.wait_indirect_dma semaphore(%arg10 : memref<!tpu.dma_semaphore, #tpu.memory_space<semaphore_mem>>) src(%dma_wait3A_75 : memref<10240x128xf32, #tpu.memory_space<hbm>>) dst(%arg8 : memref<128x128xf32, #tpu.memory_space<vmem>>)
        "tpu.region"() ({
          %run_scoped3A = tpu.sem_alloc : memref<!tpu.dma_semaphore, #tpu.memory_space<semaphore_mem>>
          %dma_start3A_76 = arith.constant 0 : i32
          %dma_start3A_77 = tpu.memref_slice %arg7[%scan3A_63, %dma_start3A_76] : memref<97x128xi32, #tpu.memory_space<vmem>> -> memref<1x128xi32, #tpu.memory_space<vmem>>
          %dma_start3A_78 = tpu.memref_squeeze %dma_start3A_77 : memref<1x128xi32, #tpu.memory_space<vmem>> -> memref<128xi32, #tpu.memory_space<vmem>>
          %dma_start3A_79 = arith.constant 0 : i32
          %dma_start3A_80 = arith.constant 0 : i32
          %dma_start3A_81 = tpu.memref_slice %arg9[%dma_start3A_79, %dma_start3A_80] : memref<10240x128xf32, #tpu.memory_space<vmem_shared>> -> memref<10240x128xf32, #tpu.memory_space<vmem_shared>>
          tpu.enqueue_indirect_dma source(%arg8 : memref<128x128xf32, #tpu.memory_space<vmem>>) target(%dma_start3A_81 : memref<10240x128xf32, #tpu.memory_space<vmem_shared>>) offsets(%dma_start3A_78 : memref<128xi32, #tpu.memory_space<vmem>>) semaphore(%run_scoped3A : memref<!tpu.dma_semaphore, #tpu.memory_space<semaphore_mem>>) {add = true}
          %dma_wait3A_82 = arith.constant 0 : i32
          %dma_wait3A_83 = tpu.memref_slice %arg7[%scan3A_63, %dma_wait3A_82] : memref<97x128xi32, #tpu.memory_space<vmem>> -> memref<1x128xi32, #tpu.memory_space<vmem>>
          %dma_wait3A_84 = tpu.memref_squeeze %dma_wait3A_83 : memref<1x128xi32, #tpu.memory_space<vmem>> -> memref<128xi32, #tpu.memory_space<vmem>>
          %dma_wait3A_85 = arith.constant 0 : i32
          %dma_wait3A_86 = arith.constant 0 : i32
          %dma_wait3A_87 = tpu.memref_slice %arg9[%dma_wait3A_85, %dma_wait3A_86] : memref<10240x128xf32, #tpu.memory_space<vmem_shared>> -> memref<10240x128xf32, #tpu.memory_space<vmem_shared>>
          tpu.wait_indirect_dma semaphore(%run_scoped3A : memref<!tpu.dma_semaphore, #tpu.memory_space<semaphore_mem>>) src(%arg8 : memref<128x128xf32, #tpu.memory_space<vmem>>) dst(%dma_wait3A_87 : memref<10240x128xf32, #tpu.memory_space<vmem_shared>>)
          tpu.yield
        }) : () -> ()
      }
      %scan3A_62 = arith.constant 97 : i32
    } else {
    }
    %ne3A = arith.constant 0 : i32
    %ne3A_46 = arith.cmpi ne, %arg0, %ne3A : i32
    %convert_element_type3A_47 = arith.extui %ne3A_46 : i1 to i32
    %cond3A_48 = arith.constant 0 : i32
    %cond3A_49 = arith.cmpi ne, %convert_element_type3A_47, %cond3A_48 : i32
    scf.if %cond3A_49 {
      %scan3A_57 = arith.constant 0 : i32
      %scan3A_58 = arith.constant 0 : i32
      %scan3A_59 = arith.constant 60 : i32
      %scan3A_60 = arith.addi %scan3A_58, %scan3A_59 : i32
      %scan3A_61 = arith.constant 1 : i32
      scf.for %scan3A_63 = %scan3A_58 to %scan3A_60 step %scan3A_61  : i32 {
        %dma_start3A_64 = arith.constant 0 : i32
        %dma_start3A_65 = tpu.memref_slice %arg6[%scan3A_63, %dma_start3A_64] : memref<97x128xi32, #tpu.memory_space<vmem>> -> memref<1x128xi32, #tpu.memory_space<vmem>>
        %dma_start3A_66 = tpu.memref_squeeze %dma_start3A_65 : memref<1x128xi32, #tpu.memory_space<vmem>> -> memref<128xi32, #tpu.memory_space<vmem>>
        %dma_start3A_67 = arith.constant 0 : i32
        %dma_start3A_68 = arith.constant 0 : i32
        %dma_start3A_69 = tpu.memref_slice %arg2[%dma_start3A_67, %dma_start3A_68] : memref<10240x128xf32, #tpu.memory_space<hbm>> -> memref<10240x128xf32, #tpu.memory_space<hbm>>
        tpu.enqueue_indirect_dma source(%dma_start3A_69 : memref<10240x128xf32, #tpu.memory_space<hbm>>) target(%arg8 : memref<128x128xf32, #tpu.memory_space<vmem>>) offsets(%dma_start3A_66 : memref<128xi32, #tpu.memory_space<vmem>>) semaphore(%arg10 : memref<!tpu.dma_semaphore, #tpu.memory_space<semaphore_mem>>)
        %dma_wait3A_70 = arith.constant 0 : i32
        %dma_wait3A_71 = tpu.memref_slice %arg6[%scan3A_63, %dma_wait3A_70] : memref<97x128xi32, #tpu.memory_space<vmem>> -> memref<1x128xi32, #tpu.memory_space<vmem>>
        %dma_wait3A_72 = tpu.memref_squeeze %dma_wait3A_71 : memref<1x128xi32, #tpu.memory_space<vmem>> -> memref<128xi32, #tpu.memory_space<vmem>>
        %dma_wait3A_73 = arith.constant 0 : i32
        %dma_wait3A_74 = arith.constant 0 : i32
        %dma_wait3A_75 = tpu.memref_slice %arg2[%dma_wait3A_73, %dma_wait3A_74] : memref<10240x128xf32, #tpu.memory_space<hbm>> -> memref<10240x128xf32, #tpu.memory_space<hbm>>
        tpu.wait_indirect_dma semaphore(%arg10 : memref<!tpu.dma_semaphore, #tpu.memory_space<semaphore_mem>>) src(%dma_wait3A_75 : memref<10240x128xf32, #tpu.memory_space<hbm>>) dst(%arg8 : memref<128x128xf32, #tpu.memory_space<vmem>>)
        "tpu.region"() ({
          %run_scoped3A = tpu.sem_alloc : memref<!tpu.dma_semaphore, #tpu.memory_space<semaphore_mem>>
          %dma_start3A_76 = arith.constant 0 : i32
          %dma_start3A_77 = tpu.memref_slice %arg7[%scan3A_63, %dma_start3A_76] : memref<97x128xi32, #tpu.memory_space<vmem>> -> memref<1x128xi32, #tpu.memory_space<vmem>>
          %dma_start3A_78 = tpu.memref_squeeze %dma_start3A_77 : memref<1x128xi32, #tpu.memory_space<vmem>> -> memref<128xi32, #tpu.memory_space<vmem>>
          %dma_start3A_79 = arith.constant 0 : i32
          %dma_start3A_80 = arith.constant 0 : i32
          %dma_start3A_81 = tpu.memref_slice %arg9[%dma_start3A_79, %dma_start3A_80] : memref<10240x128xf32, #tpu.memory_space<vmem_shared>> -> memref<10240x128xf32, #tpu.memory_space<vmem_shared>>
          tpu.enqueue_indirect_dma source(%arg8 : memref<128x128xf32, #tpu.memory_space<vmem>>) target(%dma_start3A_81 : memref<10240x128xf32, #tpu.memory_space<vmem_shared>>) offsets(%dma_start3A_78 : memref<128xi32, #tpu.memory_space<vmem>>) semaphore(%run_scoped3A : memref<!tpu.dma_semaphore, #tpu.memory_space<semaphore_mem>>) {add = true}
          %dma_wait3A_82 = arith.constant 0 : i32
          %dma_wait3A_83 = tpu.memref_slice %arg7[%scan3A_63, %dma_wait3A_82] : memref<97x128xi32, #tpu.memory_space<vmem>> -> memref<1x128xi32, #tpu.memory_space<vmem>>
          %dma_wait3A_84 = tpu.memref_squeeze %dma_wait3A_83 : memref<1x128xi32, #tpu.memory_space<vmem>> -> memref<128xi32, #tpu.memory_space<vmem>>
          %dma_wait3A_85 = arith.constant 0 : i32
          %dma_wait3A_86 = arith.constant 0 : i32
          %dma_wait3A_87 = tpu.memref_slice %arg9[%dma_wait3A_85, %dma_wait3A_86] : memref<10240x128xf32, #tpu.memory_space<vmem_shared>> -> memref<10240x128xf32, #tpu.memory_space<vmem_shared>>
          tpu.wait_indirect_dma semaphore(%run_scoped3A : memref<!tpu.dma_semaphore, #tpu.memory_space<semaphore_mem>>) src(%arg8 : memref<128x128xf32, #tpu.memory_space<vmem>>) dst(%dma_wait3A_87 : memref<10240x128xf32, #tpu.memory_space<vmem_shared>>)
          tpu.yield
        }) : () -> ()
      }
      %scan3A_62 = arith.constant 60 : i32
    } else {
    }
    %barrier3A_50 = arith.constant 0 : index
    tpu.barrier barrier_id(%barrier3A_50)
    %scan3A_51 = arith.constant 0 : i32
    %scan3A_52 = arith.constant 0 : i32
    %scan3A_53 = arith.constant 5 : i32
    %scan3A_54 = arith.addi %scan3A_52, %scan3A_53 : i32
    %scan3A_55 = arith.constant 1 : i32
    scf.for %scan3A_57 = %scan3A_52 to %scan3A_54 step %scan3A_55  : i32 {
      %mul3A_58 = arith.constant 128 : i32
      %mul3A_59 = arith.muli %scan3A_57, %mul3A_58 : i32
      %add3A_60 = arith.addi %mul3A_7, %mul3A_59 : i32
      %mul3A_61 = arith.constant 128 : i32
      %mul3A_62 = arith.muli %scan3A_57, %mul3A_61 : i32
      %add3A_63 = arith.addi %mul3A_7, %mul3A_62 : i32
      "tpu.region"() ({
        %run_scoped3A = tpu.sem_alloc : memref<!tpu.dma_semaphore, #tpu.memory_space<semaphore_mem>>
        %dma_start3A_64 = arith.constant 0 : i32
        %dma_start3A_65 = tpu.memref_slice %arg5[%arg0, %add3A_63, %dma_start3A_64] : memref<2x10240x128xf32, #tpu.memory_space<hbm>> -> memref<1x128x128xf32, #tpu.memory_space<hbm>>
        %dma_start3A_66 = tpu.memref_squeeze %dma_start3A_65 : memref<1x128x128xf32, #tpu.memory_space<hbm>> -> memref<128x128xf32, #tpu.memory_space<hbm>>
        %dma_start3A_67 = arith.constant 0 : i32
        %dma_start3A_68 = tpu.memref_slice %arg9[%add3A_60, %dma_start3A_67] : memref<10240x128xf32, #tpu.memory_space<vmem_shared>> -> memref<128x128xf32, #tpu.memory_space<vmem_shared>>
        tpu.enqueue_dma source(%dma_start3A_68 : memref<128x128xf32, #tpu.memory_space<vmem_shared>>) target(%dma_start3A_66 : memref<128x128xf32, #tpu.memory_space<hbm>>) target_semaphore(%run_scoped3A : memref<!tpu.dma_semaphore, #tpu.memory_space<semaphore_mem>>)
        %dma_wait3A_69 = arith.constant 0 : i32
        %dma_wait3A_70 = tpu.memref_slice %arg5[%arg0, %add3A_63, %dma_wait3A_69] : memref<2x10240x128xf32, #tpu.memory_space<hbm>> -> memref<1x128x128xf32, #tpu.memory_space<hbm>>
        %dma_wait3A_71 = tpu.memref_squeeze %dma_wait3A_70 : memref<1x128x128xf32, #tpu.memory_space<hbm>> -> memref<128x128xf32, #tpu.memory_space<hbm>>
        %dma_wait3A_72 = arith.constant 0 : i32
        %dma_wait3A_73 = tpu.memref_slice %arg9[%add3A_60, %dma_wait3A_72] : memref<10240x128xf32, #tpu.memory_space<vmem_shared>> -> memref<128x128xf32, #tpu.memory_space<vmem_shared>>
        tpu.wait_dma2 semaphore(%run_scoped3A : memref<!tpu.dma_semaphore, #tpu.memory_space<semaphore_mem>>) src(%dma_wait3A_73 : memref<128x128xf32, #tpu.memory_space<vmem_shared>>) dst(%dma_wait3A_71 : memref<128x128xf32, #tpu.memory_space<hbm>>)
        tpu.yield
      }) : () -> ()
    }
    %scan3A_56 = arith.constant 5 : i32
    return
  }
}

#map = affine_map<(d0, d1) -> (0, 0)>
#map1 = affine_map<(d0, d1) -> (0, 0, 0)>
module attributes {stable_mosaic.version = 14 : i64} {
  func.func @scatter_kernel(%arg0: i32, %arg1: i32, %arg2: memref<10240x128xf32, #tpu.memory_space<hbm>>, %arg3: memref<32x97x128xi32, #tpu.memory_space<hbm>>, %arg4: memref<32x97x128xi32, #tpu.memory_space<hbm>>, %arg5: memref<2x10240x128xf32, #tpu.memory_space<hbm>>, %arg6: memref<97x128xi32, #tpu.memory_space<vmem>>, %arg7: memref<97x128xi32, #tpu.memory_space<vmem>>, %arg8: memref<128x128xf32, #tpu.memory_space<vmem>>, %arg9: memref<10240x128xf32, #tpu.memory_space<vmem_shared>>, %arg10: memref<!tpu.dma_semaphore, #tpu.memory_space<semaphore_mem>>) attributes {dimension_semantics = [#tpu.dimension_semantics<core_parallel>, #tpu.dimension_semantics<subcore_parallel>], iteration_bounds = array<i64: 2, 16>, scalar_prefetch = 0 : i64, scratch_operands = 5 : i64, tpu.core_type = #tpu.core_type<sc_vector_subcore>, window_params = [{transform_indices = #map}, {transform_indices = #map1}, {transform_indices = #map1}, {transform_indices = #map1}]} {
    %mul3A = arith.constant 16 : i32
    %mul3A_0 = arith.muli %arg0, %mul3A : i32
    %add3A = arith.addi %mul3A_0, %arg1 : i32
    %scan3A = arith.constant 0 : i32
    %scan3A_1 = arith.constant 0 : i32
    %scan3A_2 = arith.constant 128 : i32
    %scan3A_3 = arith.addi %scan3A_1, %scan3A_2 : i32
    %scan3A_4 = arith.constant 1 : i32
    scf.for %scan3A_57 = %scan3A_1 to %scan3A_3 step %scan3A_4  : i32 {
      %broadcast_in_dim3A = arith.constant 0.000000e+00 : f32
      %broadcast_in_dim3A_58 = vector.broadcast %broadcast_in_dim3A : f32 to vector<16xf32>
      %swap3A = arith.index_cast %scan3A_57 : i32 to index
      %swap3A_59 = arith.constant 0 : index
      %swap3A_60 = tpu.vector_load %arg8[%swap3A, %swap3A_59] {strides = array<i32>} : memref<128x128xf32, #tpu.memory_space<vmem>>, vector<1x16xf32>,
      %swap3A_61 = vector.shape_cast %swap3A_60 : vector<1x16xf32> to vector<16xf32>
      %swap3A_62 = vector.shape_cast %broadcast_in_dim3A_58 : vector<16xf32> to vector<1x16xf32>
      tpu.vector_store %arg8[%swap3A, %swap3A_59], %swap3A_62 {strides = array<i32>} : memref<128x128xf32, #tpu.memory_space<vmem>>, vector<1x16xf32>,
      %broadcast_in_dim3A_63 = arith.constant 0.000000e+00 : f32
      %broadcast_in_dim3A_64 = vector.broadcast %broadcast_in_dim3A_63 : f32 to vector<16xf32>
      %swap3A_65 = arith.index_cast %scan3A_57 : i32 to index
      %swap3A_66 = arith.constant 16 : index
      %swap3A_67 = tpu.vector_load %arg8[%swap3A_65, %swap3A_66] {strides = array<i32>} : memref<128x128xf32, #tpu.memory_space<vmem>>, vector<1x16xf32>,
      %swap3A_68 = vector.shape_cast %swap3A_67 : vector<1x16xf32> to vector<16xf32>
      %swap3A_69 = vector.shape_cast %broadcast_in_dim3A_64 : vector<16xf32> to vector<1x16xf32>
      tpu.vector_store %arg8[%swap3A_65, %swap3A_66], %swap3A_69 {strides = array<i32>} : memref<128x128xf32, #tpu.memory_space<vmem>>, vector<1x16xf32>,
      %broadcast_in_dim3A_70 = arith.constant 0.000000e+00 : f32
      %broadcast_in_dim3A_71 = vector.broadcast %broadcast_in_dim3A_70 : f32 to vector<16xf32>
      %swap3A_72 = arith.index_cast %scan3A_57 : i32 to index
      %swap3A_73 = arith.constant 32 : index
      %swap3A_74 = tpu.vector_load %arg8[%swap3A_72, %swap3A_73] {strides = array<i32>} : memref<128x128xf32, #tpu.memory_space<vmem>>, vector<1x16xf32>,
      %swap3A_75 = vector.shape_cast %swap3A_74 : vector<1x16xf32> to vector<16xf32>
      %swap3A_76 = vector.shape_cast %broadcast_in_dim3A_71 : vector<16xf32> to vector<1x16xf32>
      tpu.vector_store %arg8[%swap3A_72, %swap3A_73], %swap3A_76 {strides = array<i32>} : memref<128x128xf32, #tpu.memory_space<vmem>>, vector<1x16xf32>,
      %broadcast_in_dim3A_77 = arith.constant 0.000000e+00 : f32
      %broadcast_in_dim3A_78 = vector.broadcast %broadcast_in_dim3A_77 : f32 to vector<16xf32>
      %swap3A_79 = arith.index_cast %scan3A_57 : i32 to index
      %swap3A_80 = arith.constant 48 : index
      %swap3A_81 = tpu.vector_load %arg8[%swap3A_79, %swap3A_80] {strides = array<i32>} : memref<128x128xf32, #tpu.memory_space<vmem>>, vector<1x16xf32>,
      %swap3A_82 = vector.shape_cast %swap3A_81 : vector<1x16xf32> to vector<16xf32>
      %swap3A_83 = vector.shape_cast %broadcast_in_dim3A_78 : vector<16xf32> to vector<1x16xf32>
      tpu.vector_store %arg8[%swap3A_79, %swap3A_80], %swap3A_83 {strides = array<i32>} : memref<128x128xf32, #tpu.memory_space<vmem>>, vector<1x16xf32>,
      %broadcast_in_dim3A_84 = arith.constant 0.000000e+00 : f32
      %broadcast_in_dim3A_85 = vector.broadcast %broadcast_in_dim3A_84 : f32 to vector<16xf32>
      %swap3A_86 = arith.index_cast %scan3A_57 : i32 to index
      %swap3A_87 = arith.constant 64 : index
      %swap3A_88 = tpu.vector_load %arg8[%swap3A_86, %swap3A_87] {strides = array<i32>} : memref<128x128xf32, #tpu.memory_space<vmem>>, vector<1x16xf32>,
      %swap3A_89 = vector.shape_cast %swap3A_88 : vector<1x16xf32> to vector<16xf32>
      %swap3A_90 = vector.shape_cast %broadcast_in_dim3A_85 : vector<16xf32> to vector<1x16xf32>
      tpu.vector_store %arg8[%swap3A_86, %swap3A_87], %swap3A_90 {strides = array<i32>} : memref<128x128xf32, #tpu.memory_space<vmem>>, vector<1x16xf32>,
      %broadcast_in_dim3A_91 = arith.constant 0.000000e+00 : f32
      %broadcast_in_dim3A_92 = vector.broadcast %broadcast_in_dim3A_91 : f32 to vector<16xf32>
      %swap3A_93 = arith.index_cast %scan3A_57 : i32 to index
      %swap3A_94 = arith.constant 80 : index
      %swap3A_95 = tpu.vector_load %arg8[%swap3A_93, %swap3A_94] {strides = array<i32>} : memref<128x128xf32, #tpu.memory_space<vmem>>, vector<1x16xf32>,
      %swap3A_96 = vector.shape_cast %swap3A_95 : vector<1x16xf32> to vector<16xf32>
      %swap3A_97 = vector.shape_cast %broadcast_in_dim3A_92 : vector<16xf32> to vector<1x16xf32>
      tpu.vector_store %arg8[%swap3A_93, %swap3A_94], %swap3A_97 {strides = array<i32>} : memref<128x128xf32, #tpu.memory_space<vmem>>, vector<1x16xf32>,
      %broadcast_in_dim3A_98 = arith.constant 0.000000e+00 : f32
      %broadcast_in_dim3A_99 = vector.broadcast %broadcast_in_dim3A_98 : f32 to vector<16xf32>
      %swap3A_100 = arith.index_cast %scan3A_57 : i32 to index
      %swap3A_101 = arith.constant 96 : index
      %swap3A_102 = tpu.vector_load %arg8[%swap3A_100, %swap3A_101] {strides = array<i32>} : memref<128x128xf32, #tpu.memory_space<vmem>>, vector<1x16xf32>,
      %swap3A_103 = vector.shape_cast %swap3A_102 : vector<1x16xf32> to vector<16xf32>
      %swap3A_104 = vector.shape_cast %broadcast_in_dim3A_99 : vector<16xf32> to vector<1x16xf32>
      tpu.vector_store %arg8[%swap3A_100, %swap3A_101], %swap3A_104 {strides = array<i32>} : memref<128x128xf32, #tpu.memory_space<vmem>>, vector<1x16xf32>,
      %broadcast_in_dim3A_105 = arith.constant 0.000000e+00 : f32
      %broadcast_in_dim3A_106 = vector.broadcast %broadcast_in_dim3A_105 : f32 to vector<16xf32>
      %swap3A_107 = arith.index_cast %scan3A_57 : i32 to index
      %swap3A_108 = arith.constant 112 : index
      %swap3A_109 = tpu.vector_load %arg8[%swap3A_107, %swap3A_108] {strides = array<i32>} : memref<128x128xf32, #tpu.memory_space<vmem>>, vector<1x16xf32>,
      %swap3A_110 = vector.shape_cast %swap3A_109 : vector<1x16xf32> to vector<16xf32>
      %swap3A_111 = vector.shape_cast %broadcast_in_dim3A_106 : vector<16xf32> to vector<1x16xf32>
      tpu.vector_store %arg8[%swap3A_107, %swap3A_108], %swap3A_111 {strides = array<i32>} : memref<128x128xf32, #tpu.memory_space<vmem>>, vector<1x16xf32>,
    }
    %scan3A_5 = arith.constant 128 : i32
    %mul3A_6 = arith.constant 640 : i32
    %mul3A_7 = arith.muli %arg1, %mul3A_6 : i32
    %scan3A_8 = arith.constant 0 : i32
    %scan3A_9 = arith.constant 0 : i32
    %scan3A_10 = arith.constant 5 : i32
    %scan3A_11 = arith.addi %scan3A_9, %scan3A_10 : i32
    %scan3A_12 = arith.constant 1 : i32
    scf.for %scan3A_57 = %scan3A_9 to %scan3A_11 step %scan3A_12  : i32 {
      %mul3A_58 = arith.constant 128 : i32
      %mul3A_59 = arith.muli %scan3A_57, %mul3A_58 : i32
      %add3A_60 = arith.addi %mul3A_7, %mul3A_59 : i32
      "tpu.region"() ({
        %run_scoped3A = tpu.sem_alloc : memref<!tpu.dma_semaphore, #tpu.memory_space<semaphore_mem>>
        %dma_start3A_61 = arith.constant 0 : i32
        %dma_start3A_62 = tpu.memref_slice %arg9[%add3A_60, %dma_start3A_61] : memref<10240x128xf32, #tpu.memory_space<vmem_shared>> -> memref<128x128xf32, #tpu.memory_space<vmem_shared>>
        %dma_start3A_63 = arith.constant 0 : i32
        %dma_start3A_64 = tpu.memref_slice %arg9[%add3A_60, %dma_start3A_63] : memref<10240x128xf32, #tpu.memory_space<vmem_shared>> -> memref<128x128xf32, #tpu.memory_space<vmem_shared>>
        tpu.enqueue_dma source(%arg8 : memref<128x128xf32, #tpu.memory_space<vmem>>) target(%dma_start3A_64 : memref<128x128xf32, #tpu.memory_space<vmem_shared>>) target_semaphore(%run_scoped3A : memref<!tpu.dma_semaphore, #tpu.memory_space<semaphore_mem>>)
        %dma_wait3A_65 = arith.constant 0 : i32
        %dma_wait3A_66 = tpu.memref_slice %arg9[%add3A_60, %dma_wait3A_65] : memref<10240x128xf32, #tpu.memory_space<vmem_shared>> -> memref<128x128xf32, #tpu.memory_space<vmem_shared>>
        %dma_wait3A_67 = arith.constant 0 : i32
        %dma_wait3A_68 = tpu.memref_slice %arg9[%add3A_60, %dma_wait3A_67] : memref<10240x128xf32, #tpu.memory_space<vmem_shared>> -> memref<128x128xf32, #tpu.memory_space<vmem_shared>>
        tpu.wait_dma2 semaphore(%run_scoped3A : memref<!tpu.dma_semaphore, #tpu.memory_space<semaphore_mem>>) src(%arg8 : memref<128x128xf32, #tpu.memory_space<vmem>>) dst(%dma_wait3A_68 : memref<128x128xf32, #tpu.memory_space<vmem_shared>>)
        tpu.yield
      }) : () -> ()
    }
    %scan3A_13 = arith.constant 5 : i32
    %barrier3A = arith.constant 0 : index
    tpu.barrier barrier_id(%barrier3A)
    %dma_start3A = arith.constant 0 : i32
    %dma_start3A_14 = arith.constant 0 : i32
    %dma_start3A_15 = tpu.memref_slice %arg3[%add3A, %dma_start3A, %dma_start3A_14] : memref<32x97x128xi32, #tpu.memory_space<hbm>> -> memref<1x97x128xi32, #tpu.memory_space<hbm>>
    %dma_start3A_16 = tpu.memref_squeeze %dma_start3A_15 : memref<1x97x128xi32, #tpu.memory_space<hbm>> -> memref<97x128xi32, #tpu.memory_space<hbm>>
    %dma_start3A_17 = arith.constant 0 : i32
    %dma_start3A_18 = arith.constant 0 : i32
    %dma_start3A_19 = tpu.memref_slice %arg3[%add3A, %dma_start3A_17, %dma_start3A_18] : memref<32x97x128xi32, #tpu.memory_space<hbm>> -> memref<1x97x128xi32, #tpu.memory_space<hbm>>
    %dma_start3A_20 = tpu.memref_squeeze %dma_start3A_19 : memref<1x97x128xi32, #tpu.memory_space<hbm>> -> memref<97x128xi32, #tpu.memory_space<hbm>>
    tpu.enqueue_dma source(%dma_start3A_20 : memref<97x128xi32, #tpu.memory_space<hbm>>) target(%arg6 : memref<97x128xi32, #tpu.memory_space<vmem>>) target_semaphore(%arg10 : memref<!tpu.dma_semaphore, #tpu.memory_space<semaphore_mem>>)
    %dma_wait3A = arith.constant 0 : i32
    %dma_wait3A_21 = arith.constant 0 : i32
    %dma_wait3A_22 = tpu.memref_slice %arg3[%add3A, %dma_wait3A, %dma_wait3A_21] : memref<32x97x128xi32, #tpu.memory_space<hbm>> -> memref<1x97x128xi32, #tpu.memory_space<hbm>>
    %dma_wait3A_23 = tpu.memref_squeeze %dma_wait3A_22 : memref<1x97x128xi32, #tpu.memory_space<hbm>> -> memref<97x128xi32, #tpu.memory_space<hbm>>
    %dma_wait3A_24 = arith.constant 0 : i32
    %dma_wait3A_25 = arith.constant 0 : i32
    %dma_wait3A_26 = tpu.memref_slice %arg3[%add3A, %dma_wait3A_24, %dma_wait3A_25] : memref<32x97x128xi32, #tpu.memory_space<hbm>> -> memref<1x97x128xi32, #tpu.memory_space<hbm>>
    %dma_wait3A_27 = tpu.memref_squeeze %dma_wait3A_26 : memref<1x97x128xi32, #tpu.memory_space<hbm>> -> memref<97x128xi32, #tpu.memory_space<hbm>>
    tpu.wait_dma2 semaphore(%arg10 : memref<!tpu.dma_semaphore, #tpu.memory_space<semaphore_mem>>) src(%dma_wait3A_27 : memref<97x128xi32, #tpu.memory_space<hbm>>) dst(%arg6 : memref<97x128xi32, #tpu.memory_space<vmem>>)
    %dma_start3A_28 = arith.constant 0 : i32
    %dma_start3A_29 = arith.constant 0 : i32
    %dma_start3A_30 = tpu.memref_slice %arg4[%add3A, %dma_start3A_28, %dma_start3A_29] : memref<32x97x128xi32, #tpu.memory_space<hbm>> -> memref<1x97x128xi32, #tpu.memory_space<hbm>>
    %dma_start3A_31 = tpu.memref_squeeze %dma_start3A_30 : memref<1x97x128xi32, #tpu.memory_space<hbm>> -> memref<97x128xi32, #tpu.memory_space<hbm>>
    %dma_start3A_32 = arith.constant 0 : i32
    %dma_start3A_33 = arith.constant 0 : i32
    %dma_start3A_34 = tpu.memref_slice %arg4[%add3A, %dma_start3A_32, %dma_start3A_33] : memref<32x97x128xi32, #tpu.memory_space<hbm>> -> memref<1x97x128xi32, #tpu.memory_space<hbm>>
    %dma_start3A_35 = tpu.memref_squeeze %dma_start3A_34 : memref<1x97x128xi32, #tpu.memory_space<hbm>> -> memref<97x128xi32, #tpu.memory_space<hbm>>
    tpu.enqueue_dma source(%dma_start3A_35 : memref<97x128xi32, #tpu.memory_space<hbm>>) target(%arg7 : memref<97x128xi32, #tpu.memory_space<vmem>>) target_semaphore(%arg10 : memref<!tpu.dma_semaphore, #tpu.memory_space<semaphore_mem>>)
    %dma_wait3A_36 = arith.constant 0 : i32
    %dma_wait3A_37 = arith.constant 0 : i32
    %dma_wait3A_38 = tpu.memref_slice %arg4[%add3A, %dma_wait3A_36, %dma_wait3A_37] : memref<32x97x128xi32, #tpu.memory_space<hbm>> -> memref<1x97x128xi32, #tpu.memory_space<hbm>>
    %dma_wait3A_39 = tpu.memref_squeeze %dma_wait3A_38 : memref<1x97x128xi32, #tpu.memory_space<hbm>> -> memref<97x128xi32, #tpu.memory_space<hbm>>
    %dma_wait3A_40 = arith.constant 0 : i32
    %dma_wait3A_41 = arith.constant 0 : i32
    %dma_wait3A_42 = tpu.memref_slice %arg4[%add3A, %dma_wait3A_40, %dma_wait3A_41] : memref<32x97x128xi32, #tpu.memory_space<hbm>> -> memref<1x97x128xi32, #tpu.memory_space<hbm>>
    %dma_wait3A_43 = tpu.memref_squeeze %dma_wait3A_42 : memref<1x97x128xi32, #tpu.memory_space<hbm>> -> memref<97x128xi32, #tpu.memory_space<hbm>>
    tpu.wait_dma2 semaphore(%arg10 : memref<!tpu.dma_semaphore, #tpu.memory_space<semaphore_mem>>) src(%dma_wait3A_43 : memref<97x128xi32, #tpu.memory_space<hbm>>) dst(%arg7 : memref<97x128xi32, #tpu.memory_space<vmem>>)
    %eq3A = arith.constant 0 : i32
    %eq3A_44 = arith.cmpi eq, %arg0, %eq3A : i32
    %convert_element_type3A = arith.extui %eq3A_44 : i1 to i32
    %cond3A = arith.constant 0 : i32
    %cond3A_45 = arith.cmpi ne, %convert_element_type3A, %cond3A : i32
    scf.if %cond3A_45 {
      %scan3A_57 = arith.constant 0 : i32
      %scan3A_58 = arith.constant 0 : i32
      %scan3A_59 = arith.constant 97 : i32
      %scan3A_60 = arith.addi %scan3A_58, %scan3A_59 : i32
      %scan3A_61 = arith.constant 1 : i32
      scf.for %scan3A_63 = %scan3A_58 to %scan3A_60 step %scan3A_61  : i32 {
        %dma_start3A_64 = arith.constant 0 : i32
        %dma_start3A_65 = tpu.memref_slice %arg6[%scan3A_63, %dma_start3A_64] : memref<97x128xi32, #tpu.memory_space<vmem>> -> memref<1x128xi32, #tpu.memory_space<vmem>>
        %dma_start3A_66 = tpu.memref_squeeze %dma_start3A_65 : memref<1x128xi32, #tpu.memory_space<vmem>> -> memref<128xi32, #tpu.memory_space<vmem>>
        %dma_start3A_67 = arith.constant 0 : i32
        %dma_start3A_68 = arith.constant 0 : i32
        %dma_start3A_69 = tpu.memref_slice %arg2[%dma_start3A_67, %dma_start3A_68] : memref<10240x128xf32, #tpu.memory_space<hbm>> -> memref<10240x128xf32, #tpu.memory_space<hbm>>
        tpu.enqueue_indirect_dma source(%dma_start3A_69 : memref<10240x128xf32, #tpu.memory_space<hbm>>) target(%arg8 : memref<128x128xf32, #tpu.memory_space<vmem>>) offsets(%dma_start3A_66 : memref<128xi32, #tpu.memory_space<vmem>>) semaphore(%arg10 : memref<!tpu.dma_semaphore, #tpu.memory_space<semaphore_mem>>)
        %dma_wait3A_70 = arith.constant 0 : i32
        %dma_wait3A_71 = tpu.memref_slice %arg6[%scan3A_63, %dma_wait3A_70] : memref<97x128xi32, #tpu.memory_space<vmem>> -> memref<1x128xi32, #tpu.memory_space<vmem>>
        %dma_wait3A_72 = tpu.memref_squeeze %dma_wait3A_71 : memref<1x128xi32, #tpu.memory_space<vmem>> -> memref<128xi32, #tpu.memory_space<vmem>>
        %dma_wait3A_73 = arith.constant 0 : i32
        %dma_wait3A_74 = arith.constant 0 : i32
        %dma_wait3A_75 = tpu.memref_slice %arg2[%dma_wait3A_73, %dma_wait3A_74] : memref<10240x128xf32, #tpu.memory_space<hbm>> -> memref<10240x128xf32, #tpu.memory_space<hbm>>
        tpu.wait_indirect_dma semaphore(%arg10 : memref<!tpu.dma_semaphore, #tpu.memory_space<semaphore_mem>>) src(%dma_wait3A_75 : memref<10240x128xf32, #tpu.memory_space<hbm>>) dst(%arg8 : memref<128x128xf32, #tpu.memory_space<vmem>>)
        "tpu.region"() ({
          %run_scoped3A = tpu.sem_alloc : memref<!tpu.dma_semaphore, #tpu.memory_space<semaphore_mem>>
          %dma_start3A_76 = arith.constant 0 : i32
          %dma_start3A_77 = tpu.memref_slice %arg7[%scan3A_63, %dma_start3A_76] : memref<97x128xi32, #tpu.memory_space<vmem>> -> memref<1x128xi32, #tpu.memory_space<vmem>>
          %dma_start3A_78 = tpu.memref_squeeze %dma_start3A_77 : memref<1x128xi32, #tpu.memory_space<vmem>> -> memref<128xi32, #tpu.memory_space<vmem>>
          %dma_start3A_79 = arith.constant 0 : i32
          %dma_start3A_80 = arith.constant 0 : i32
          %dma_start3A_81 = tpu.memref_slice %arg9[%dma_start3A_79, %dma_start3A_80] : memref<10240x128xf32, #tpu.memory_space<vmem_shared>> -> memref<10240x128xf32, #tpu.memory_space<vmem_shared>>
          tpu.enqueue_indirect_dma source(%arg8 : memref<128x128xf32, #tpu.memory_space<vmem>>) target(%dma_start3A_81 : memref<10240x128xf32, #tpu.memory_space<vmem_shared>>) offsets(%dma_start3A_78 : memref<128xi32, #tpu.memory_space<vmem>>) semaphore(%run_scoped3A : memref<!tpu.dma_semaphore, #tpu.memory_space<semaphore_mem>>) {add = true}
          %dma_wait3A_82 = arith.constant 0 : i32
          %dma_wait3A_83 = tpu.memref_slice %arg7[%scan3A_63, %dma_wait3A_82] : memref<97x128xi32, #tpu.memory_space<vmem>> -> memref<1x128xi32, #tpu.memory_space<vmem>>
          %dma_wait3A_84 = tpu.memref_squeeze %dma_wait3A_83 : memref<1x128xi32, #tpu.memory_space<vmem>> -> memref<128xi32, #tpu.memory_space<vmem>>
          %dma_wait3A_85 = arith.constant 0 : i32
          %dma_wait3A_86 = arith.constant 0 : i32
          %dma_wait3A_87 = tpu.memref_slice %arg9[%dma_wait3A_85, %dma_wait3A_86] : memref<10240x128xf32, #tpu.memory_space<vmem_shared>> -> memref<10240x128xf32, #tpu.memory_space<vmem_shared>>
          tpu.wait_indirect_dma semaphore(%run_scoped3A : memref<!tpu.dma_semaphore, #tpu.memory_space<semaphore_mem>>) src(%arg8 : memref<128x128xf32, #tpu.memory_space<vmem>>) dst(%dma_wait3A_87 : memref<10240x128xf32, #tpu.memory_space<vmem_shared>>)
          tpu.yield
        }) : () -> ()
      }
      %scan3A_62 = arith.constant 97 : i32
    } else {
    }
    %ne3A = arith.constant 0 : i32
    %ne3A_46 = arith.cmpi ne, %arg0, %ne3A : i32
    %convert_element_type3A_47 = arith.extui %ne3A_46 : i1 to i32
    %cond3A_48 = arith.constant 0 : i32
    %cond3A_49 = arith.cmpi ne, %convert_element_type3A_47, %cond3A_48 : i32
    scf.if %cond3A_49 {
      %scan3A_57 = arith.constant 0 : i32
      %scan3A_58 = arith.constant 0 : i32
      %scan3A_59 = arith.constant 60 : i32
      %scan3A_60 = arith.addi %scan3A_58, %scan3A_59 : i32
      %scan3A_61 = arith.constant 1 : i32
      scf.for %scan3A_63 = %scan3A_58 to %scan3A_60 step %scan3A_61  : i32 {
        %dma_start3A_64 = arith.constant 0 : i32
        %dma_start3A_65 = tpu.memref_slice %arg6[%scan3A_63, %dma_start3A_64] : memref<97x128xi32, #tpu.memory_space<vmem>> -> memref<1x128xi32, #tpu.memory_space<vmem>>
        %dma_start3A_66 = tpu.memref_squeeze %dma_start3A_65 : memref<1x128xi32, #tpu.memory_space<vmem>> -> memref<128xi32, #tpu.memory_space<vmem>>
        %dma_start3A_67 = arith.constant 0 : i32
        %dma_start3A_68 = arith.constant 0 : i32
        %dma_start3A_69 = tpu.memref_slice %arg2[%dma_start3A_67, %dma_start3A_68] : memref<10240x128xf32, #tpu.memory_space<hbm>> -> memref<10240x128xf32, #tpu.memory_space<hbm>>
        tpu.enqueue_indirect_dma source(%dma_start3A_69 : memref<10240x128xf32, #tpu.memory_space<hbm>>) target(%arg8 : memref<128x128xf32, #tpu.memory_space<vmem>>) offsets(%dma_start3A_66 : memref<128xi32, #tpu.memory_space<vmem>>) semaphore(%arg10 : memref<!tpu.dma_semaphore, #tpu.memory_space<semaphore_mem>>)
        %dma_wait3A_70 = arith.constant 0 : i32
        %dma_wait3A_71 = tpu.memref_slice %arg6[%scan3A_63, %dma_wait3A_70] : memref<97x128xi32, #tpu.memory_space<vmem>> -> memref<1x128xi32, #tpu.memory_space<vmem>>
        %dma_wait3A_72 = tpu.memref_squeeze %dma_wait3A_71 : memref<1x128xi32, #tpu.memory_space<vmem>> -> memref<128xi32, #tpu.memory_space<vmem>>
        %dma_wait3A_73 = arith.constant 0 : i32
        %dma_wait3A_74 = arith.constant 0 : i32
        %dma_wait3A_75 = tpu.memref_slice %arg2[%dma_wait3A_73, %dma_wait3A_74] : memref<10240x128xf32, #tpu.memory_space<hbm>> -> memref<10240x128xf32, #tpu.memory_space<hbm>>
        tpu.wait_indirect_dma semaphore(%arg10 : memref<!tpu.dma_semaphore, #tpu.memory_space<semaphore_mem>>) src(%dma_wait3A_75 : memref<10240x128xf32, #tpu.memory_space<hbm>>) dst(%arg8 : memref<128x128xf32, #tpu.memory_space<vmem>>)
        "tpu.region"() ({
          %run_scoped3A = tpu.sem_alloc : memref<!tpu.dma_semaphore, #tpu.memory_space<semaphore_mem>>
          %dma_start3A_76 = arith.constant 0 : i32
          %dma_start3A_77 = tpu.memref_slice %arg7[%scan3A_63, %dma_start3A_76] : memref<97x128xi32, #tpu.memory_space<vmem>> -> memref<1x128xi32, #tpu.memory_space<vmem>>
          %dma_start3A_78 = tpu.memref_squeeze %dma_start3A_77 : memref<1x128xi32, #tpu.memory_space<vmem>> -> memref<128xi32, #tpu.memory_space<vmem>>
          %dma_start3A_79 = arith.constant 0 : i32
          %dma_start3A_80 = arith.constant 0 : i32
          %dma_start3A_81 = tpu.memref_slice %arg9[%dma_start3A_79, %dma_start3A_80] : memref<10240x128xf32, #tpu.memory_space<vmem_shared>> -> memref<10240x128xf32, #tpu.memory_space<vmem_shared>>
          tpu.enqueue_indirect_dma source(%arg8 : memref<128x128xf32, #tpu.memory_space<vmem>>) target(%dma_start3A_81 : memref<10240x128xf32, #tpu.memory_space<vmem_shared>>) offsets(%dma_start3A_78 : memref<128xi32, #tpu.memory_space<vmem>>) semaphore(%run_scoped3A : memref<!tpu.dma_semaphore, #tpu.memory_space<semaphore_mem>>) {add = true}
          %dma_wait3A_82 = arith.constant 0 : i32
          %dma_wait3A_83 = tpu.memref_slice %arg7[%scan3A_63, %dma_wait3A_82] : memref<97x128xi32, #tpu.memory_space<vmem>> -> memref<1x128xi32, #tpu.memory_space<vmem>>
          %dma_wait3A_84 = tpu.memref_squeeze %dma_wait3A_83 : memref<1x128xi32, #tpu.memory_space<vmem>> -> memref<128xi32, #tpu.memory_space<vmem>>
          %dma_wait3A_85 = arith.constant 0 : i32
          %dma_wait3A_86 = arith.constant 0 : i32
          %dma_wait3A_87 = tpu.memref_slice %arg9[%dma_wait3A_85, %dma_wait3A_86] : memref<10240x128xf32, #tpu.memory_space<vmem_shared>> -> memref<10240x128xf32, #tpu.memory_space<vmem_shared>>
          tpu.wait_indirect_dma semaphore(%run_scoped3A : memref<!tpu.dma_semaphore, #tpu.memory_space<semaphore_mem>>) src(%arg8 : memref<128x128xf32, #tpu.memory_space<vmem>>) dst(%dma_wait3A_87 : memref<10240x128xf32, #tpu.memory_space<vmem_shared>>)
          tpu.yield
        }) : () -> ()
      }
      %scan3A_62 = arith.constant 60 : i32
    } else {
    }
    %barrier3A_50 = arith.constant 0 : index
    tpu.barrier barrier_id(%barrier3A_50)
    %scan3A_51 = arith.constant 0 : i32
    %scan3A_52 = arith.constant 0 : i32
    %scan3A_53 = arith.constant 5 : i32
    %scan3A_54 = arith.addi %scan3A_52, %scan3A_53 : i32
    %scan3A_55 = arith.constant 1 : i32
    scf.for %scan3A_57 = %scan3A_52 to %scan3A_54 step %scan3A_55  : i32 {
      %mul3A_58 = arith.constant 128 : i32
      %mul3A_59 = arith.muli %scan3A_57, %mul3A_58 : i32
      %add3A_60 = arith.addi %mul3A_7, %mul3A_59 : i32
      %mul3A_61 = arith.constant 128 : i32
      %mul3A_62 = arith.muli %scan3A_57, %mul3A_61 : i32
      %add3A_63 = arith.addi %mul3A_7, %mul3A_62 : i32
      "tpu.region"() ({
        %run_scoped3A = tpu.sem_alloc : memref<!tpu.dma_semaphore, #tpu.memory_space<semaphore_mem>>
        %dma_start3A_64 = arith.constant 0 : i32
        %dma_start3A_65 = tpu.memref_slice %arg5[%arg0, %add3A_63, %dma_start3A_64] : memref<2x10240x128xf32, #tpu.memory_space<hbm>> -> memref<1x128x128xf32, #tpu.memory_space<hbm>>
        %dma_start3A_66 = tpu.memref_squeeze %dma_start3A_65 : memref<1x128x128xf32, #tpu.memory_space<hbm>> -> memref<128x128xf32, #tpu.memory_space<hbm>>
        %dma_start3A_67 = arith.constant 0 : i32
        %dma_start3A_68 = tpu.memref_slice %arg9[%add3A_60, %dma_start3A_67] : memref<10240x128xf32, #tpu.memory_space<vmem_shared>> -> memref<128x128xf32, #tpu.memory_space<vmem_shared>>
        tpu.enqueue_dma source(%dma_start3A_68 : memref<128x128xf32, #tpu.memory_space<vmem_shared>>) target(%dma_start3A_66 : memref<128x128xf32, #tpu.memory_space<hbm>>) target_semaphore(%run_scoped3A : memref<!tpu.dma_semaphore, #tpu.memory_space<semaphore_mem>>)
        %dma_wait3A_69 = arith.constant 0 : i32
        %dma_wait3A_70 = tpu.memref_slice %arg5[%arg0, %add3A_63, %dma_wait3A_69] : memref<2x10240x128xf32, #tpu.memory_space<hbm>> -> memref<1x128x128xf32, #tpu.memory_space<hbm>>
        %dma_wait3A_71 = tpu.memref_squeeze %dma_wait3A_70 : memref<1x128x128xf32, #tpu.memory_space<hbm>> -> memref<128x128xf32, #tpu.memory_space<hbm>>
        %dma_wait3A_72 = arith.constant 0 : i32
        %dma_wait3A_73 = tpu.memref_slice %arg9[%add3A_60, %dma_wait3A_72] : memref<10240x128xf32, #tpu.memory_space<vmem_shared>> -> memref<128x128xf32, #tpu.memory_space<vmem_shared>>
        tpu.wait_dma2 semaphore(%run_scoped3A : memref<!tpu.dma_semaphore, #tpu.memory_space<semaphore_mem>>) src(%dma_wait3A_73 : memref<128x128xf32, #tpu.memory_space<vmem_shared>>) dst(%dma_wait3A_71 : memref<128x128xf32, #tpu.memory_space<hbm>>)
        tpu.yield
      }) : () -> ()
    }
    %scan3A_56 = arith.constant 5 : i32
    return
  }
}

#map = affine_map<(d0, d1) -> (0, 0, 0)>
module attributes {stable_mosaic.version = 14 : i64} {
  func.func @deg_kernel(%arg0: i32, %arg1: i32, %arg2: memref<32x97x128xi32, #tpu.memory_space<hbm>>, %arg3: memref<2x10240x128xf32, #tpu.memory_space<hbm>>, %arg4: memref<97x128xi32, #tpu.memory_space<vmem>>, %arg5: memref<128x128xf32, #tpu.memory_space<vmem>>, %arg6: memref<128x128xf32, #tpu.memory_space<vmem>>, %arg7: memref<10240x128xf32, #tpu.memory_space<vmem_shared>>, %arg8: memref<!tpu.dma_semaphore, #tpu.memory_space<semaphore_mem>>, %arg9: memref<!tpu.dma_semaphore, #tpu.memory_space<semaphore_mem>>, %arg10: memref<!tpu.dma_semaphore, #tpu.memory_space<semaphore_mem>>, %arg11: memref<!tpu.dma_semaphore, #tpu.memory_space<semaphore_mem>>) attributes {dimension_semantics = [#tpu.dimension_semantics<core_parallel>, #tpu.dimension_semantics<subcore_parallel>], iteration_bounds = array<i64: 2, 16>, scalar_prefetch = 0 : i64, scratch_operands = 8 : i64, tpu.core_type = #tpu.core_type<sc_vector_subcore>, window_params = [{transform_indices = #map}, {transform_indices = #map}]} {
    %mul3A = arith.constant 16 : i32
    %mul3A_0 = arith.muli %arg0, %mul3A : i32
    %add3A = arith.addi %mul3A_0, %arg1 : i32
    %scan3A = arith.constant 0 : i32
    %scan3A_1 = arith.constant 0 : i32
    %scan3A_2 = arith.constant 128 : i32
    %scan3A_3 = arith.addi %scan3A_1, %scan3A_2 : i32
    %scan3A_4 = arith.constant 1 : i32
    scf.for %scan3A_41 = %scan3A_1 to %scan3A_3 step %scan3A_4  : i32 {
      %broadcast_in_dim3A = arith.constant 1.000000e+00 : f32
      %broadcast_in_dim3A_42 = vector.broadcast %broadcast_in_dim3A : f32 to vector<16xf32>
      %swap3A = arith.index_cast %scan3A_41 : i32 to index
      %swap3A_43 = arith.constant 0 : index
      %swap3A_44 = tpu.vector_load %arg5[%swap3A, %swap3A_43] {strides = array<i32>} : memref<128x128xf32, #tpu.memory_space<vmem>>, vector<1x16xf32>,
      %swap3A_45 = vector.shape_cast %swap3A_44 : vector<1x16xf32> to vector<16xf32>
      %swap3A_46 = vector.shape_cast %broadcast_in_dim3A_42 : vector<16xf32> to vector<1x16xf32>
      tpu.vector_store %arg5[%swap3A, %swap3A_43], %swap3A_46 {strides = array<i32>} : memref<128x128xf32, #tpu.memory_space<vmem>>, vector<1x16xf32>,
      %broadcast_in_dim3A_47 = arith.constant 0.000000e+00 : f32
      %broadcast_in_dim3A_48 = vector.broadcast %broadcast_in_dim3A_47 : f32 to vector<16xf32>
      %swap3A_49 = arith.index_cast %scan3A_41 : i32 to index
      %swap3A_50 = arith.constant 0 : index
      %swap3A_51 = tpu.vector_load %arg6[%swap3A_49, %swap3A_50] {strides = array<i32>} : memref<128x128xf32, #tpu.memory_space<vmem>>, vector<1x16xf32>,
      %swap3A_52 = vector.shape_cast %swap3A_51 : vector<1x16xf32> to vector<16xf32>
      %swap3A_53 = vector.shape_cast %broadcast_in_dim3A_48 : vector<16xf32> to vector<1x16xf32>
      tpu.vector_store %arg6[%swap3A_49, %swap3A_50], %swap3A_53 {strides = array<i32>} : memref<128x128xf32, #tpu.memory_space<vmem>>, vector<1x16xf32>,
      %broadcast_in_dim3A_54 = arith.constant 1.000000e+00 : f32
      %broadcast_in_dim3A_55 = vector.broadcast %broadcast_in_dim3A_54 : f32 to vector<16xf32>
      %swap3A_56 = arith.index_cast %scan3A_41 : i32 to index
      %swap3A_57 = arith.constant 16 : index
      %swap3A_58 = tpu.vector_load %arg5[%swap3A_56, %swap3A_57] {strides = array<i32>} : memref<128x128xf32, #tpu.memory_space<vmem>>, vector<1x16xf32>,
      %swap3A_59 = vector.shape_cast %swap3A_58 : vector<1x16xf32> to vector<16xf32>
      %swap3A_60 = vector.shape_cast %broadcast_in_dim3A_55 : vector<16xf32> to vector<1x16xf32>
      tpu.vector_store %arg5[%swap3A_56, %swap3A_57], %swap3A_60 {strides = array<i32>} : memref<128x128xf32, #tpu.memory_space<vmem>>, vector<1x16xf32>,
      %broadcast_in_dim3A_61 = arith.constant 0.000000e+00 : f32
      %broadcast_in_dim3A_62 = vector.broadcast %broadcast_in_dim3A_61 : f32 to vector<16xf32>
      %swap3A_63 = arith.index_cast %scan3A_41 : i32 to index
      %swap3A_64 = arith.constant 16 : index
      %swap3A_65 = tpu.vector_load %arg6[%swap3A_63, %swap3A_64] {strides = array<i32>} : memref<128x128xf32, #tpu.memory_space<vmem>>, vector<1x16xf32>,
      %swap3A_66 = vector.shape_cast %swap3A_65 : vector<1x16xf32> to vector<16xf32>
      %swap3A_67 = vector.shape_cast %broadcast_in_dim3A_62 : vector<16xf32> to vector<1x16xf32>
      tpu.vector_store %arg6[%swap3A_63, %swap3A_64], %swap3A_67 {strides = array<i32>} : memref<128x128xf32, #tpu.memory_space<vmem>>, vector<1x16xf32>,
      %broadcast_in_dim3A_68 = arith.constant 1.000000e+00 : f32
      %broadcast_in_dim3A_69 = vector.broadcast %broadcast_in_dim3A_68 : f32 to vector<16xf32>
      %swap3A_70 = arith.index_cast %scan3A_41 : i32 to index
      %swap3A_71 = arith.constant 32 : index
      %swap3A_72 = tpu.vector_load %arg5[%swap3A_70, %swap3A_71] {strides = array<i32>} : memref<128x128xf32, #tpu.memory_space<vmem>>, vector<1x16xf32>,
      %swap3A_73 = vector.shape_cast %swap3A_72 : vector<1x16xf32> to vector<16xf32>
      %swap3A_74 = vector.shape_cast %broadcast_in_dim3A_69 : vector<16xf32> to vector<1x16xf32>
      tpu.vector_store %arg5[%swap3A_70, %swap3A_71], %swap3A_74 {strides = array<i32>} : memref<128x128xf32, #tpu.memory_space<vmem>>, vector<1x16xf32>,
      %broadcast_in_dim3A_75 = arith.constant 0.000000e+00 : f32
      %broadcast_in_dim3A_76 = vector.broadcast %broadcast_in_dim3A_75 : f32 to vector<16xf32>
      %swap3A_77 = arith.index_cast %scan3A_41 : i32 to index
      %swap3A_78 = arith.constant 32 : index
      %swap3A_79 = tpu.vector_load %arg6[%swap3A_77, %swap3A_78] {strides = array<i32>} : memref<128x128xf32, #tpu.memory_space<vmem>>, vector<1x16xf32>,
      %swap3A_80 = vector.shape_cast %swap3A_79 : vector<1x16xf32> to vector<16xf32>
      %swap3A_81 = vector.shape_cast %broadcast_in_dim3A_76 : vector<16xf32> to vector<1x16xf32>
      tpu.vector_store %arg6[%swap3A_77, %swap3A_78], %swap3A_81 {strides = array<i32>} : memref<128x128xf32, #tpu.memory_space<vmem>>, vector<1x16xf32>,
      %broadcast_in_dim3A_82 = arith.constant 1.000000e+00 : f32
      %broadcast_in_dim3A_83 = vector.broadcast %broadcast_in_dim3A_82 : f32 to vector<16xf32>
      %swap3A_84 = arith.index_cast %scan3A_41 : i32 to index
      %swap3A_85 = arith.constant 48 : index
      %swap3A_86 = tpu.vector_load %arg5[%swap3A_84, %swap3A_85] {strides = array<i32>} : memref<128x128xf32, #tpu.memory_space<vmem>>, vector<1x16xf32>,
      %swap3A_87 = vector.shape_cast %swap3A_86 : vector<1x16xf32> to vector<16xf32>
      %swap3A_88 = vector.shape_cast %broadcast_in_dim3A_83 : vector<16xf32> to vector<1x16xf32>
      tpu.vector_store %arg5[%swap3A_84, %swap3A_85], %swap3A_88 {strides = array<i32>} : memref<128x128xf32, #tpu.memory_space<vmem>>, vector<1x16xf32>,
      %broadcast_in_dim3A_89 = arith.constant 0.000000e+00 : f32
      %broadcast_in_dim3A_90 = vector.broadcast %broadcast_in_dim3A_89 : f32 to vector<16xf32>
      %swap3A_91 = arith.index_cast %scan3A_41 : i32 to index
      %swap3A_92 = arith.constant 48 : index
      %swap3A_93 = tpu.vector_load %arg6[%swap3A_91, %swap3A_92] {strides = array<i32>} : memref<128x128xf32, #tpu.memory_space<vmem>>, vector<1x16xf32>,
      %swap3A_94 = vector.shape_cast %swap3A_93 : vector<1x16xf32> to vector<16xf32>
      %swap3A_95 = vector.shape_cast %broadcast_in_dim3A_90 : vector<16xf32> to vector<1x16xf32>
      tpu.vector_store %arg6[%swap3A_91, %swap3A_92], %swap3A_95 {strides = array<i32>} : memref<128x128xf32, #tpu.memory_space<vmem>>, vector<1x16xf32>,
      %broadcast_in_dim3A_96 = arith.constant 1.000000e+00 : f32
      %broadcast_in_dim3A_97 = vector.broadcast %broadcast_in_dim3A_96 : f32 to vector<16xf32>
      %swap3A_98 = arith.index_cast %scan3A_41 : i32 to index
      %swap3A_99 = arith.constant 64 : index
      %swap3A_100 = tpu.vector_load %arg5[%swap3A_98, %swap3A_99] {strides = array<i32>} : memref<128x128xf32, #tpu.memory_space<vmem>>, vector<1x16xf32>,
      %swap3A_101 = vector.shape_cast %swap3A_100 : vector<1x16xf32> to vector<16xf32>
      %swap3A_102 = vector.shape_cast %broadcast_in_dim3A_97 : vector<16xf32> to vector<1x16xf32>
      tpu.vector_store %arg5[%swap3A_98, %swap3A_99], %swap3A_102 {strides = array<i32>} : memref<128x128xf32, #tpu.memory_space<vmem>>, vector<1x16xf32>,
      %broadcast_in_dim3A_103 = arith.constant 0.000000e+00 : f32
      %broadcast_in_dim3A_104 = vector.broadcast %broadcast_in_dim3A_103 : f32 to vector<16xf32>
      %swap3A_105 = arith.index_cast %scan3A_41 : i32 to index
      %swap3A_106 = arith.constant 64 : index
      %swap3A_107 = tpu.vector_load %arg6[%swap3A_105, %swap3A_106] {strides = array<i32>} : memref<128x128xf32, #tpu.memory_space<vmem>>, vector<1x16xf32>,
      %swap3A_108 = vector.shape_cast %swap3A_107 : vector<1x16xf32> to vector<16xf32>
      %swap3A_109 = vector.shape_cast %broadcast_in_dim3A_104 : vector<16xf32> to vector<1x16xf32>
      tpu.vector_store %arg6[%swap3A_105, %swap3A_106], %swap3A_109 {strides = array<i32>} : memref<128x128xf32, #tpu.memory_space<vmem>>, vector<1x16xf32>,
      %broadcast_in_dim3A_110 = arith.constant 1.000000e+00 : f32
      %broadcast_in_dim3A_111 = vector.broadcast %broadcast_in_dim3A_110 : f32 to vector<16xf32>
      %swap3A_112 = arith.index_cast %scan3A_41 : i32 to index
      %swap3A_113 = arith.constant 80 : index
      %swap3A_114 = tpu.vector_load %arg5[%swap3A_112, %swap3A_113] {strides = array<i32>} : memref<128x128xf32, #tpu.memory_space<vmem>>, vector<1x16xf32>,
      %swap3A_115 = vector.shape_cast %swap3A_114 : vector<1x16xf32> to vector<16xf32>
      %swap3A_116 = vector.shape_cast %broadcast_in_dim3A_111 : vector<16xf32> to vector<1x16xf32>
      tpu.vector_store %arg5[%swap3A_112, %swap3A_113], %swap3A_116 {strides = array<i32>} : memref<128x128xf32, #tpu.memory_space<vmem>>, vector<1x16xf32>,
      %broadcast_in_dim3A_117 = arith.constant 0.000000e+00 : f32
      %broadcast_in_dim3A_118 = vector.broadcast %broadcast_in_dim3A_117 : f32 to vector<16xf32>
      %swap3A_119 = arith.index_cast %scan3A_41 : i32 to index
      %swap3A_120 = arith.constant 80 : index
      %swap3A_121 = tpu.vector_load %arg6[%swap3A_119, %swap3A_120] {strides = array<i32>} : memref<128x128xf32, #tpu.memory_space<vmem>>, vector<1x16xf32>,
      %swap3A_122 = vector.shape_cast %swap3A_121 : vector<1x16xf32> to vector<16xf32>
      %swap3A_123 = vector.shape_cast %broadcast_in_dim3A_118 : vector<16xf32> to vector<1x16xf32>
      tpu.vector_store %arg6[%swap3A_119, %swap3A_120], %swap3A_123 {strides = array<i32>} : memref<128x128xf32, #tpu.memory_space<vmem>>, vector<1x16xf32>,
      %broadcast_in_dim3A_124 = arith.constant 1.000000e+00 : f32
      %broadcast_in_dim3A_125 = vector.broadcast %broadcast_in_dim3A_124 : f32 to vector<16xf32>
      %swap3A_126 = arith.index_cast %scan3A_41 : i32 to index
      %swap3A_127 = arith.constant 96 : index
      %swap3A_128 = tpu.vector_load %arg5[%swap3A_126, %swap3A_127] {strides = array<i32>} : memref<128x128xf32, #tpu.memory_space<vmem>>, vector<1x16xf32>,
      %swap3A_129 = vector.shape_cast %swap3A_128 : vector<1x16xf32> to vector<16xf32>
      %swap3A_130 = vector.shape_cast %broadcast_in_dim3A_125 : vector<16xf32> to vector<1x16xf32>
      tpu.vector_store %arg5[%swap3A_126, %swap3A_127], %swap3A_130 {strides = array<i32>} : memref<128x128xf32, #tpu.memory_space<vmem>>, vector<1x16xf32>,
      %broadcast_in_dim3A_131 = arith.constant 0.000000e+00 : f32
      %broadcast_in_dim3A_132 = vector.broadcast %broadcast_in_dim3A_131 : f32 to vector<16xf32>
      %swap3A_133 = arith.index_cast %scan3A_41 : i32 to index
      %swap3A_134 = arith.constant 96 : index
      %swap3A_135 = tpu.vector_load %arg6[%swap3A_133, %swap3A_134] {strides = array<i32>} : memref<128x128xf32, #tpu.memory_space<vmem>>, vector<1x16xf32>,
      %swap3A_136 = vector.shape_cast %swap3A_135 : vector<1x16xf32> to vector<16xf32>
      %swap3A_137 = vector.shape_cast %broadcast_in_dim3A_132 : vector<16xf32> to vector<1x16xf32>
      tpu.vector_store %arg6[%swap3A_133, %swap3A_134], %swap3A_137 {strides = array<i32>} : memref<128x128xf32, #tpu.memory_space<vmem>>, vector<1x16xf32>,
      %broadcast_in_dim3A_138 = arith.constant 1.000000e+00 : f32
      %broadcast_in_dim3A_139 = vector.broadcast %broadcast_in_dim3A_138 : f32 to vector<16xf32>
      %swap3A_140 = arith.index_cast %scan3A_41 : i32 to index
      %swap3A_141 = arith.constant 112 : index
      %swap3A_142 = tpu.vector_load %arg5[%swap3A_140, %swap3A_141] {strides = array<i32>} : memref<128x128xf32, #tpu.memory_space<vmem>>, vector<1x16xf32>,
      %swap3A_143 = vector.shape_cast %swap3A_142 : vector<1x16xf32> to vector<16xf32>
      %swap3A_144 = vector.shape_cast %broadcast_in_dim3A_139 : vector<16xf32> to vector<1x16xf32>
      tpu.vector_store %arg5[%swap3A_140, %swap3A_141], %swap3A_144 {strides = array<i32>} : memref<128x128xf32, #tpu.memory_space<vmem>>, vector<1x16xf32>,
      %broadcast_in_dim3A_145 = arith.constant 0.000000e+00 : f32
      %broadcast_in_dim3A_146 = vector.broadcast %broadcast_in_dim3A_145 : f32 to vector<16xf32>
      %swap3A_147 = arith.index_cast %scan3A_41 : i32 to index
      %swap3A_148 = arith.constant 112 : index
      %swap3A_149 = tpu.vector_load %arg6[%swap3A_147, %swap3A_148] {strides = array<i32>} : memref<128x128xf32, #tpu.memory_space<vmem>>, vector<1x16xf32>,
      %swap3A_150 = vector.shape_cast %swap3A_149 : vector<1x16xf32> to vector<16xf32>
      %swap3A_151 = vector.shape_cast %broadcast_in_dim3A_146 : vector<16xf32> to vector<1x16xf32>
      tpu.vector_store %arg6[%swap3A_147, %swap3A_148], %swap3A_151 {strides = array<i32>} : memref<128x128xf32, #tpu.memory_space<vmem>>, vector<1x16xf32>,
    }
    %scan3A_5 = arith.constant 128 : i32
    %mul3A_6 = arith.constant 640 : i32
    %mul3A_7 = arith.muli %arg1, %mul3A_6 : i32
    %scan3A_8 = arith.constant 0 : i32
    %scan3A_9 = arith.constant 0 : i32
    %scan3A_10 = arith.constant 5 : i32
    %scan3A_11 = arith.addi %scan3A_9, %scan3A_10 : i32
    %scan3A_12 = arith.constant 1 : i32
    scf.for %scan3A_41 = %scan3A_9 to %scan3A_11 step %scan3A_12  : i32 {
      %mul3A_42 = arith.constant 128 : i32
      %mul3A_43 = arith.muli %scan3A_41, %mul3A_42 : i32
      %add3A_44 = arith.addi %mul3A_7, %mul3A_43 : i32
      "tpu.region"() ({
        %run_scoped3A = tpu.sem_alloc : memref<!tpu.dma_semaphore, #tpu.memory_space<semaphore_mem>>
        %dma_start3A_45 = arith.constant 0 : i32
        %dma_start3A_46 = tpu.memref_slice %arg7[%add3A_44, %dma_start3A_45] : memref<10240x128xf32, #tpu.memory_space<vmem_shared>> -> memref<128x128xf32, #tpu.memory_space<vmem_shared>>
        %dma_start3A_47 = arith.constant 0 : i32
        %dma_start3A_48 = tpu.memref_slice %arg7[%add3A_44, %dma_start3A_47] : memref<10240x128xf32, #tpu.memory_space<vmem_shared>> -> memref<128x128xf32, #tpu.memory_space<vmem_shared>>
        tpu.enqueue_dma source(%arg6 : memref<128x128xf32, #tpu.memory_space<vmem>>) target(%dma_start3A_48 : memref<128x128xf32, #tpu.memory_space<vmem_shared>>) target_semaphore(%run_scoped3A : memref<!tpu.dma_semaphore, #tpu.memory_space<semaphore_mem>>)
        %dma_wait3A_49 = arith.constant 0 : i32
        %dma_wait3A_50 = tpu.memref_slice %arg7[%add3A_44, %dma_wait3A_49] : memref<10240x128xf32, #tpu.memory_space<vmem_shared>> -> memref<128x128xf32, #tpu.memory_space<vmem_shared>>
        %dma_wait3A_51 = arith.constant 0 : i32
        %dma_wait3A_52 = tpu.memref_slice %arg7[%add3A_44, %dma_wait3A_51] : memref<10240x128xf32, #tpu.memory_space<vmem_shared>> -> memref<128x128xf32, #tpu.memory_space<vmem_shared>>
        tpu.wait_dma2 semaphore(%run_scoped3A : memref<!tpu.dma_semaphore, #tpu.memory_space<semaphore_mem>>) src(%arg6 : memref<128x128xf32, #tpu.memory_space<vmem>>) dst(%dma_wait3A_52 : memref<128x128xf32, #tpu.memory_space<vmem_shared>>)
        tpu.yield
      }) : () -> ()
    }
    %scan3A_13 = arith.constant 5 : i32
    %barrier3A = arith.constant 0 : index
    tpu.barrier barrier_id(%barrier3A)
    %dma_start3A = arith.constant 0 : i32
    %dma_start3A_14 = arith.constant 0 : i32
    %dma_start3A_15 = tpu.memref_slice %arg2[%add3A, %dma_start3A, %dma_start3A_14] : memref<32x97x128xi32, #tpu.memory_space<hbm>> -> memref<1x97x128xi32, #tpu.memory_space<hbm>>
    %dma_start3A_16 = tpu.memref_squeeze %dma_start3A_15 : memref<1x97x128xi32, #tpu.memory_space<hbm>> -> memref<97x128xi32, #tpu.memory_space<hbm>>
    %dma_start3A_17 = arith.constant 0 : i32
    %dma_start3A_18 = arith.constant 0 : i32
    %dma_start3A_19 = tpu.memref_slice %arg2[%add3A, %dma_start3A_17, %dma_start3A_18] : memref<32x97x128xi32, #tpu.memory_space<hbm>> -> memref<1x97x128xi32, #tpu.memory_space<hbm>>
    %dma_start3A_20 = tpu.memref_squeeze %dma_start3A_19 : memref<1x97x128xi32, #tpu.memory_space<hbm>> -> memref<97x128xi32, #tpu.memory_space<hbm>>
    tpu.enqueue_dma source(%dma_start3A_20 : memref<97x128xi32, #tpu.memory_space<hbm>>) target(%arg4 : memref<97x128xi32, #tpu.memory_space<vmem>>) target_semaphore(%arg8 : memref<!tpu.dma_semaphore, #tpu.memory_space<semaphore_mem>>)
    %dma_wait3A = arith.constant 0 : i32
    %dma_wait3A_21 = arith.constant 0 : i32
    %dma_wait3A_22 = tpu.memref_slice %arg2[%add3A, %dma_wait3A, %dma_wait3A_21] : memref<32x97x128xi32, #tpu.memory_space<hbm>> -> memref<1x97x128xi32, #tpu.memory_space<hbm>>
    %dma_wait3A_23 = tpu.memref_squeeze %dma_wait3A_22 : memref<1x97x128xi32, #tpu.memory_space<hbm>> -> memref<97x128xi32, #tpu.memory_space<hbm>>
    %dma_wait3A_24 = arith.constant 0 : i32
    %dma_wait3A_25 = arith.constant 0 : i32
    %dma_wait3A_26 = tpu.memref_slice %arg2[%add3A, %dma_wait3A_24, %dma_wait3A_25] : memref<32x97x128xi32, #tpu.memory_space<hbm>> -> memref<1x97x128xi32, #tpu.memory_space<hbm>>
    %dma_wait3A_27 = tpu.memref_squeeze %dma_wait3A_26 : memref<1x97x128xi32, #tpu.memory_space<hbm>> -> memref<97x128xi32, #tpu.memory_space<hbm>>
    tpu.wait_dma2 semaphore(%arg8 : memref<!tpu.dma_semaphore, #tpu.memory_space<semaphore_mem>>) src(%dma_wait3A_27 : memref<97x128xi32, #tpu.memory_space<hbm>>) dst(%arg4 : memref<97x128xi32, #tpu.memory_space<vmem>>)
    %eq3A = arith.constant 0 : i32
    %eq3A_28 = arith.cmpi eq, %arg0, %eq3A : i32
    %convert_element_type3A = arith.extui %eq3A_28 : i1 to i32
    %cond3A = arith.constant 0 : i32
    %cond3A_29 = arith.cmpi ne, %convert_element_type3A, %cond3A : i32
    scf.if %cond3A_29 {
      %scan3A_41 = arith.constant 0 : i32
      %scan3A_42 = arith.constant 0 : i32
      %scan3A_43 = arith.constant 97 : i32
      %scan3A_44 = arith.addi %scan3A_42, %scan3A_43 : i32
      %scan3A_45 = arith.constant 1 : i32
      scf.for %scan3A_47 = %scan3A_42 to %scan3A_44 step %scan3A_45  : i32 {
        "tpu.region"() ({
          %run_scoped3A = tpu.sem_alloc : memref<!tpu.dma_semaphore, #tpu.memory_space<semaphore_mem>>
          %dma_start3A_48 = arith.constant 0 : i32
          %dma_start3A_49 = tpu.memref_slice %arg4[%scan3A_47, %dma_start3A_48] : memref<97x128xi32, #tpu.memory_space<vmem>> -> memref<1x128xi32, #tpu.memory_space<vmem>>
          %dma_start3A_50 = tpu.memref_squeeze %dma_start3A_49 : memref<1x128xi32, #tpu.memory_space<vmem>> -> memref<128xi32, #tpu.memory_space<vmem>>
          %dma_start3A_51 = arith.constant 0 : i32
          %dma_start3A_52 = arith.constant 0 : i32
          %dma_start3A_53 = tpu.memref_slice %arg7[%dma_start3A_51, %dma_start3A_52] : memref<10240x128xf32, #tpu.memory_space<vmem_shared>> -> memref<10240x128xf32, #tpu.memory_space<vmem_shared>>
          tpu.enqueue_indirect_dma source(%arg5 : memref<128x128xf32, #tpu.memory_space<vmem>>) target(%dma_start3A_53 : memref<10240x128xf32, #tpu.memory_space<vmem_shared>>) offsets(%dma_start3A_50 : memref<128xi32, #tpu.memory_space<vmem>>) semaphore(%run_scoped3A : memref<!tpu.dma_semaphore, #tpu.memory_space<semaphore_mem>>) {add = true}
          %dma_wait3A_54 = arith.constant 0 : i32
          %dma_wait3A_55 = tpu.memref_slice %arg4[%scan3A_47, %dma_wait3A_54] : memref<97x128xi32, #tpu.memory_space<vmem>> -> memref<1x128xi32, #tpu.memory_space<vmem>>
          %dma_wait3A_56 = tpu.memref_squeeze %dma_wait3A_55 : memref<1x128xi32, #tpu.memory_space<vmem>> -> memref<128xi32, #tpu.memory_space<vmem>>
          %dma_wait3A_57 = arith.constant 0 : i32
          %dma_wait3A_58 = arith.constant 0 : i32
          %dma_wait3A_59 = tpu.memref_slice %arg7[%dma_wait3A_57, %dma_wait3A_58] : memref<10240x128xf32, #tpu.memory_space<vmem_shared>> -> memref<10240x128xf32, #tpu.memory_space<vmem_shared>>
          tpu.wait_indirect_dma semaphore(%run_scoped3A : memref<!tpu.dma_semaphore, #tpu.memory_space<semaphore_mem>>) src(%arg5 : memref<128x128xf32, #tpu.memory_space<vmem>>) dst(%dma_wait3A_59 : memref<10240x128xf32, #tpu.memory_space<vmem_shared>>)
          tpu.yield
        }) : () -> ()
      }
      %scan3A_46 = arith.constant 97 : i32
    } else {
    }
    %ne3A = arith.constant 0 : i32
    %ne3A_30 = arith.cmpi ne, %arg0, %ne3A : i32
    %convert_element_type3A_31 = arith.extui %ne3A_30 : i1 to i32
    %cond3A_32 = arith.constant 0 : i32
    %cond3A_33 = arith.cmpi ne, %convert_element_type3A_31, %cond3A_32 : i32
    scf.if %cond3A_33 {
      %scan3A_41 = arith.constant 0 : i32
      %scan3A_42 = arith.constant 0 : i32
      %scan3A_43 = arith.constant 60 : i32
      %scan3A_44 = arith.addi %scan3A_42, %scan3A_43 : i32
      %scan3A_45 = arith.constant 1 : i32
      scf.for %scan3A_47 = %scan3A_42 to %scan3A_44 step %scan3A_45  : i32 {
        "tpu.region"() ({
          %run_scoped3A = tpu.sem_alloc : memref<!tpu.dma_semaphore, #tpu.memory_space<semaphore_mem>>
          %dma_start3A_48 = arith.constant 0 : i32
          %dma_start3A_49 = tpu.memref_slice %arg4[%scan3A_47, %dma_start3A_48] : memref<97x128xi32, #tpu.memory_space<vmem>> -> memref<1x128xi32, #tpu.memory_space<vmem>>
          %dma_start3A_50 = tpu.memref_squeeze %dma_start3A_49 : memref<1x128xi32, #tpu.memory_space<vmem>> -> memref<128xi32, #tpu.memory_space<vmem>>
          %dma_start3A_51 = arith.constant 0 : i32
          %dma_start3A_52 = arith.constant 0 : i32
          %dma_start3A_53 = tpu.memref_slice %arg7[%dma_start3A_51, %dma_start3A_52] : memref<10240x128xf32, #tpu.memory_space<vmem_shared>> -> memref<10240x128xf32, #tpu.memory_space<vmem_shared>>
          tpu.enqueue_indirect_dma source(%arg5 : memref<128x128xf32, #tpu.memory_space<vmem>>) target(%dma_start3A_53 : memref<10240x128xf32, #tpu.memory_space<vmem_shared>>) offsets(%dma_start3A_50 : memref<128xi32, #tpu.memory_space<vmem>>) semaphore(%run_scoped3A : memref<!tpu.dma_semaphore, #tpu.memory_space<semaphore_mem>>) {add = true}
          %dma_wait3A_54 = arith.constant 0 : i32
          %dma_wait3A_55 = tpu.memref_slice %arg4[%scan3A_47, %dma_wait3A_54] : memref<97x128xi32, #tpu.memory_space<vmem>> -> memref<1x128xi32, #tpu.memory_space<vmem>>
          %dma_wait3A_56 = tpu.memref_squeeze %dma_wait3A_55 : memref<1x128xi32, #tpu.memory_space<vmem>> -> memref<128xi32, #tpu.memory_space<vmem>>
          %dma_wait3A_57 = arith.constant 0 : i32
          %dma_wait3A_58 = arith.constant 0 : i32
          %dma_wait3A_59 = tpu.memref_slice %arg7[%dma_wait3A_57, %dma_wait3A_58] : memref<10240x128xf32, #tpu.memory_space<vmem_shared>> -> memref<10240x128xf32, #tpu.memory_space<vmem_shared>>
          tpu.wait_indirect_dma semaphore(%run_scoped3A : memref<!tpu.dma_semaphore, #tpu.memory_space<semaphore_mem>>) src(%arg5 : memref<128x128xf32, #tpu.memory_space<vmem>>) dst(%dma_wait3A_59 : memref<10240x128xf32, #tpu.memory_space<vmem_shared>>)
          tpu.yield
        }) : () -> ()
      }
      %scan3A_46 = arith.constant 60 : i32
    } else {
    }
    %barrier3A_34 = arith.constant 0 : index
    tpu.barrier barrier_id(%barrier3A_34)
    %scan3A_35 = arith.constant 0 : i32
    %scan3A_36 = arith.constant 0 : i32
    %scan3A_37 = arith.constant 5 : i32
    %scan3A_38 = arith.addi %scan3A_36, %scan3A_37 : i32
    %scan3A_39 = arith.constant 1 : i32
    scf.for %scan3A_41 = %scan3A_36 to %scan3A_38 step %scan3A_39  : i32 {
      %mul3A_42 = arith.constant 128 : i32
      %mul3A_43 = arith.muli %scan3A_41, %mul3A_42 : i32
      %add3A_44 = arith.addi %mul3A_7, %mul3A_43 : i32
      %mul3A_45 = arith.constant 128 : i32
      %mul3A_46 = arith.muli %scan3A_41, %mul3A_45 : i32
      %add3A_47 = arith.addi %mul3A_7, %mul3A_46 : i32
      "tpu.region"() ({
        %run_scoped3A = tpu.sem_alloc : memref<!tpu.dma_semaphore, #tpu.memory_space<semaphore_mem>>
        %dma_start3A_48 = arith.constant 0 : i32
        %dma_start3A_49 = tpu.memref_slice %arg3[%arg0, %add3A_47, %dma_start3A_48] : memref<2x10240x128xf32, #tpu.memory_space<hbm>> -> memref<1x128x128xf32, #tpu.memory_space<hbm>>
        %dma_start3A_50 = tpu.memref_squeeze %dma_start3A_49 : memref<1x128x128xf32, #tpu.memory_space<hbm>> -> memref<128x128xf32, #tpu.memory_space<hbm>>
        %dma_start3A_51 = arith.constant 0 : i32
        %dma_start3A_52 = tpu.memref_slice %arg7[%add3A_44, %dma_start3A_51] : memref<10240x128xf32, #tpu.memory_space<vmem_shared>> -> memref<128x128xf32, #tpu.memory_space<vmem_shared>>
        tpu.enqueue_dma source(%dma_start3A_52 : memref<128x128xf32, #tpu.memory_space<vmem_shared>>) target(%dma_start3A_50 : memref<128x128xf32, #tpu.memory_space<hbm>>) target_semaphore(%run_scoped3A : memref<!tpu.dma_semaphore, #tpu.memory_space<semaphore_mem>>)
        %dma_wait3A_53 = arith.constant 0 : i32
        %dma_wait3A_54 = tpu.memref_slice %arg3[%arg0, %add3A_47, %dma_wait3A_53] : memref<2x10240x128xf32, #tpu.memory_space<hbm>> -> memref<1x128x128xf32, #tpu.memory_space<hbm>>
        %dma_wait3A_55 = tpu.memref_squeeze %dma_wait3A_54 : memref<1x128x128xf32, #tpu.memory_space<hbm>> -> memref<128x128xf32, #tpu.memory_space<hbm>>
        %dma_wait3A_56 = arith.constant 0 : i32
        %dma_wait3A_57 = tpu.memref_slice %arg7[%add3A_44, %dma_wait3A_56] : memref<10240x128xf32, #tpu.memory_space<vmem_shared>> -> memref<128x128xf32, #tpu.memory_space<vmem_shared>>
        tpu.wait_dma2 semaphore(%run_scoped3A : memref<!tpu.dma_semaphore, #tpu.memory_space<semaphore_mem>>) src(%dma_wait3A_57 : memref<128x128xf32, #tpu.memory_space<vmem_shared>>) dst(%dma_wait3A_55 : memref<128x128xf32, #tpu.memory_space<hbm>>)
        tpu.yield
      }) : () -> ()
    }
    %scan3A_40 = arith.constant 5 : i32
    return
  }
}

module attributes {stable_mosaic.version = 14 : i64} {
  func.func @_prep_body(%arg0: i32, %arg1: memref<128x1024xf32, #tpu.memory_space<vmem>>, %arg2: memref<128x128xf32, #tpu.memory_space<vmem>>, %arg3: memref<2x1024x128xf32, #tpu.memory_space<vmem>>, %arg4: memref<1024x8xf32, #tpu.memory_space<vmem>>, %arg5: memref<1024x128xf32, #tpu.memory_space<vmem>>) attributes {dimension_semantics = [#tpu.dimension_semantics<arbitrary>], iteration_bounds = array<i64: 10>, scalar_prefetch = 0 : i64, scratch_operands = 0 : i64, tpu.core_type = #tpu.core_type<tc>, window_params = [{transform_indices = @transform_0, window_bounds = array<i64: 128, 1024>}, {pipeline_mode = #tpu.pipeline_mode<synchronous>, transform_indices = @transform_1, window_bounds = array<i64: 128, 128>}, {transform_indices = @transform_2, window_bounds = array<i64: 2, 1024, 128>}, {transform_indices = @transform_3, window_bounds = array<i64: 1024, 8>}, {transform_indices = @transform_4, window_bounds = array<i64: 1024, 128>}]} {
    %get3A = arith.constant 0 : index
    %get3A_0 = arith.constant 0 : index
    %get3A_1 = vector.load %arg1[%get3A, %get3A_0] : memref<128x1024xf32, #tpu.memory_space<vmem>>, vector<128x1024xf32>
    %get3A_2 = arith.constant 0 : index
    %get3A_3 = arith.constant 0 : index
    %get3A_4 = arith.constant 0 : index
    %get3A_5 = vector.load %arg3[%get3A_2, %get3A_3, %get3A_4] : memref<2x1024x128xf32, #tpu.memory_space<vmem>>, vector<1x1024x1xf32>
    %get3A_6 = vector.shape_cast %get3A_5 : vector<1x1024x1xf32> to vector<1024x1xf32>
    %add3A = arith.constant 1.000000e+00 : f32
    %add3A_7 = vector.broadcast %add3A : f32 to vector<1024x1xf32>
    %add3A_8 = arith.addf %add3A_7, %get3A_6 : vector<1024x1xf32>
    %get3A_9 = arith.constant 1 : index
    %get3A_10 = arith.constant 0 : index
    %get3A_11 = arith.constant 0 : index
    %get3A_12 = vector.load %arg3[%get3A_9, %get3A_10, %get3A_11] : memref<2x1024x128xf32, #tpu.memory_space<vmem>>, vector<1x1024x1xf32>
    %get3A_13 = vector.shape_cast %get3A_12 : vector<1x1024x1xf32> to vector<1024x1xf32>
    %add3A_14 = arith.addf %add3A_8, %get3A_13 : vector<1024x1xf32>
    %rsqrt3A = math.rsqrt %add3A_14 : vector<1024x1xf32>
    %get3A_15 = arith.constant 0 : index
    %get3A_16 = arith.constant 0 : index
    %get3A_17 = vector.load %arg2[%get3A_15, %get3A_16] : memref<128x128xf32, #tpu.memory_space<vmem>>, vector<128x128xf32>
    %dot_general3A = arith.constant dense<0.000000e+00> : vector<1024x128xf32>
    %dot_general3A_18 = tpu.matmul %get3A_1, %get3A_17, %dot_general3A {dimension_numbers = #tpu.dot_dimension_numbers<[0], [0], [1], [1], [0, 1, 1, 1], [], []>, transpose_lhs_hint = false} : vector<128x1024xf32>, vector<128x128xf32>, vector<1024x128xf32> -> vector<1024x128xf32>
    %mul3A = vector.broadcast %rsqrt3A : vector<1024x1xf32> to vector<1024x128xf32>
    %mul3A_19 = arith.mulf %dot_general3A_18, %mul3A : vector<1024x128xf32>
    %swap3A = arith.constant 0 : index
    %swap3A_20 = arith.constant 0 : index
    %swap3A_21 = vector.load %arg5[%swap3A, %swap3A_20] : memref<1024x128xf32, #tpu.memory_space<vmem>>, vector<1024x128xf32>
    tpu.vector_store %arg5[%swap3A, %swap3A_20], %mul3A_19 {strides = array<i32>} : memref<1024x128xf32, #tpu.memory_space<vmem>>, vector<1024x128xf32>,
    %broadcast_in_dim3A = vector.shape_cast %rsqrt3A : vector<1024x1xf32> to vector<1024x1xf32>
    %broadcast_in_dim3A_22 = vector.broadcast %broadcast_in_dim3A : vector<1024x1xf32> to vector<1024x8xf32>
    %swap3A_23 = arith.constant 0 : index
    %swap3A_24 = arith.constant 0 : index
    %swap3A_25 = vector.load %arg4[%swap3A_23, %swap3A_24] : memref<1024x8xf32, #tpu.memory_space<vmem>>, vector<1024x8xf32>
    tpu.vector_store %arg4[%swap3A_23, %swap3A_24], %broadcast_in_dim3A_22 {strides = array<i32>} : memref<1024x8xf32, #tpu.memory_space<vmem>>, vector<1024x8xf32>,
    return
  }
  func.func @transform_0(%arg0: i32) -> (i32, i32) {
    %c0_i32 = arith.constant 0 : i32
    %c0_i32_0 = arith.constant 0 : i32
    return %c0_i32, %arg0 : i32, i32
  }
  func.func @transform_1(%arg0: i32) -> (i32, i32) {
    %c0_i32 = arith.constant 0 : i32
    %c0_i32_0 = arith.constant 0 : i32
    %c0_i32_1 = arith.constant 0 : i32
    return %c0_i32, %c0_i32_0 : i32, i32
  }
  func.func @transform_2(%arg0: i32) -> (i32, i32, i32) {
    %c0_i32 = arith.constant 0 : i32
    %c0_i32_0 = arith.constant 0 : i32
    %c0_i32_1 = arith.constant 0 : i32
    return %c0_i32, %arg0, %c0_i32_0 : i32, i32, i32
  }
  func.func @transform_3(%arg0: i32) -> (i32, i32) {
    %c0_i32 = arith.constant 0 : i32
    %c0_i32_0 = arith.constant 0 : i32
    return %arg0, %c0_i32 : i32, i32
  }
  func.func @transform_4(%arg0: i32) -> (i32, i32) {
    %c0_i32 = arith.constant 0 : i32
    %c0_i32_0 = arith.constant 0 : i32
    return %arg0, %c0_i32 : i32, i32
  }
}

module attributes {stable_mosaic.version = 14 : i64} {
  func.func @_mid_body(%arg0: i32, %arg1: memref<2x1024x128xf32, #tpu.memory_space<vmem>>, %arg2: memref<1024x128xf32, #tpu.memory_space<vmem>>, %arg3: memref<1024x8xf32, #tpu.memory_space<vmem>>, %arg4: memref<1x128xf32, #tpu.memory_space<vmem>>, %arg5: memref<128x128xf32, #tpu.memory_space<vmem>>, %arg6: memref<1024x128xf32, #tpu.memory_space<vmem>>) attributes {dimension_semantics = [#tpu.dimension_semantics<arbitrary>], iteration_bounds = array<i64: 10>, scalar_prefetch = 0 : i64, scratch_operands = 0 : i64, tpu.core_type = #tpu.core_type<tc>, window_params = [{transform_indices = @transform_0, window_bounds = array<i64: 2, 1024, 128>}, {transform_indices = @transform_1, window_bounds = array<i64: 1024, 128>}, {transform_indices = @transform_2, window_bounds = array<i64: 1024, 8>}, {pipeline_mode = #tpu.pipeline_mode<synchronous>, transform_indices = @transform_3, window_bounds = array<i64: 1, 128>}, {pipeline_mode = #tpu.pipeline_mode<synchronous>, transform_indices = @transform_4, window_bounds = array<i64: 128, 128>}, {transform_indices = @transform_5, window_bounds = array<i64: 1024, 128>}]} {
    %get3A = arith.constant 0 : index
    %get3A_0 = arith.constant 0 : index
    %get3A_1 = arith.constant 0 : index
    %get3A_2 = vector.load %arg1[%get3A, %get3A_0, %get3A_1] : memref<2x1024x128xf32, #tpu.memory_space<vmem>>, vector<1x1024x128xf32>
    %get3A_3 = vector.shape_cast %get3A_2 : vector<1x1024x128xf32> to vector<1024x128xf32>
    %get3A_4 = arith.constant 1 : index
    %get3A_5 = arith.constant 0 : index
    %get3A_6 = arith.constant 0 : index
    %get3A_7 = vector.load %arg1[%get3A_4, %get3A_5, %get3A_6] : memref<2x1024x128xf32, #tpu.memory_space<vmem>>, vector<1x1024x128xf32>
    %get3A_8 = vector.shape_cast %get3A_7 : vector<1x1024x128xf32> to vector<1024x128xf32>
    %add3A = arith.addf %get3A_3, %get3A_8 : vector<1024x128xf32>
    %get3A_9 = arith.constant 0 : index
    %get3A_10 = arith.constant 0 : index
    %get3A_11 = vector.load %arg2[%get3A_9, %get3A_10] : memref<1024x128xf32, #tpu.memory_space<vmem>>, vector<1024x128xf32>
    %add3A_12 = arith.addf %add3A, %get3A_11 : vector<1024x128xf32>
    %get3A_13 = arith.constant 0 : index
    %get3A_14 = arith.constant 0 : index
    %get3A_15 = vector.load %arg3[%get3A_13, %get3A_14] : memref<1024x8xf32, #tpu.memory_space<vmem>>, vector<1024x1xf32>
    %mul3A = vector.broadcast %get3A_15 : vector<1024x1xf32> to vector<1024x128xf32>
    %mul3A_16 = arith.mulf %add3A_12, %mul3A : vector<1024x128xf32>
    %get3A_17 = arith.constant 0 : index
    %get3A_18 = arith.constant 0 : index
    %get3A_19 = vector.load %arg4[%get3A_17, %get3A_18] : memref<1x128xf32, #tpu.memory_space<vmem>>, vector<1x128xf32>
    %add3A_20 = vector.broadcast %get3A_19 : vector<1x128xf32> to vector<1024x128xf32>
    %add3A_21 = arith.addf %mul3A_16, %add3A_20 : vector<1024x128xf32>
    %gt3A = arith.constant 0.000000e+00 : f32
    %gt3A_22 = vector.broadcast %gt3A : f32 to vector<1024x128xf32>
    %gt3A_23 = arith.cmpf ogt, %add3A_21, %gt3A_22 : vector<1024x128xf32>
    %exp3A = math.exp %add3A_21 : vector<1024x128xf32>
    %sub3A = arith.constant 1.000000e+00 : f32
    %sub3A_24 = vector.broadcast %sub3A : f32 to vector<1024x128xf32>
    %sub3A_25 = arith.subf %exp3A, %sub3A_24 : vector<1024x128xf32>
    %select_n3A = arith.select %gt3A_23, %add3A_21, %sub3A_25 : vector<1024x128xi1>, vector<1024x128xf32>
    %get3A_26 = arith.constant 0 : index
    %get3A_27 = arith.constant 0 : index
    %get3A_28 = vector.load %arg5[%get3A_26, %get3A_27] : memref<128x128xf32, #tpu.memory_space<vmem>>, vector<128x128xf32>
    %dot_general3A = arith.constant dense<0.000000e+00> : vector<1024x128xf32>
    %dot_general3A_29 = tpu.matmul %select_n3A, %get3A_28, %dot_general3A {dimension_numbers = #tpu.dot_dimension_numbers<[1], [0], [0], [1], [0, 0, 1, 1], [], []>, transpose_lhs_hint = false} : vector<1024x128xf32>, vector<128x128xf32>, vector<1024x128xf32> -> vector<1024x128xf32>
    %mul3A_30 = vector.broadcast %get3A_15 : vector<1024x1xf32> to vector<1024x128xf32>
    %mul3A_31 = arith.mulf %dot_general3A_29, %mul3A_30 : vector<1024x128xf32>
    %swap3A = arith.constant 0 : index
    %swap3A_32 = arith.constant 0 : index
    %swap3A_33 = vector.load %arg6[%swap3A, %swap3A_32] : memref<1024x128xf32, #tpu.memory_space<vmem>>, vector<1024x128xf32>
    tpu.vector_store %arg6[%swap3A, %swap3A_32], %mul3A_31 {strides = array<i32>} : memref<1024x128xf32, #tpu.memory_space<vmem>>, vector<1024x128xf32>,
    return
  }
  func.func @transform_0(%arg0: i32) -> (i32, i32, i32) {
    %c0_i32 = arith.constant 0 : i32
    %c0_i32_0 = arith.constant 0 : i32
    %c0_i32_1 = arith.constant 0 : i32
    return %c0_i32, %arg0, %c0_i32_0 : i32, i32, i32
  }
  func.func @transform_1(%arg0: i32) -> (i32, i32) {
    %c0_i32 = arith.constant 0 : i32
    %c0_i32_0 = arith.constant 0 : i32
    return %arg0, %c0_i32 : i32, i32
  }
  func.func @transform_2(%arg0: i32) -> (i32, i32) {
    %c0_i32 = arith.constant 0 : i32
    %c0_i32_0 = arith.constant 0 : i32
    return %arg0, %c0_i32 : i32, i32
  }
  func.func @transform_3(%arg0: i32) -> (i32, i32) {
    %c0_i32 = arith.constant 0 : i32
    %c0_i32_0 = arith.constant 0 : i32
    %c0_i32_1 = arith.constant 0 : i32
    return %c0_i32, %c0_i32_0 : i32, i32
  }
  func.func @transform_4(%arg0: i32) -> (i32, i32) {
    %c0_i32 = arith.constant 0 : i32
    %c0_i32_0 = arith.constant 0 : i32
    %c0_i32_1 = arith.constant 0 : i32
    return %c0_i32, %c0_i32_0 : i32, i32
  }
  func.func @transform_5(%arg0: i32) -> (i32, i32) {
    %c0_i32 = arith.constant 0 : i32
    %c0_i32_0 = arith.constant 0 : i32
    return %arg0, %c0_i32 : i32, i32
  }
}

module attributes {stable_mosaic.version = 14 : i64} {
  func.func @_fin_body(%arg0: i32, %arg1: memref<2x1024x128xf32, #tpu.memory_space<vmem>>, %arg2: memref<1024x128xf32, #tpu.memory_space<vmem>>, %arg3: memref<1024x8xf32, #tpu.memory_space<vmem>>, %arg4: memref<1x128xf32, #tpu.memory_space<vmem>>, %arg5: memref<128x1xf32, #tpu.memory_space<vmem>>, %arg6: memref<1x1xf32, #tpu.memory_space<vmem>>, %arg7: memref<1024x1xf32, #tpu.memory_space<vmem>>) attributes {dimension_semantics = [#tpu.dimension_semantics<arbitrary>], iteration_bounds = array<i64: 10>, scalar_prefetch = 0 : i64, scratch_operands = 0 : i64, tpu.core_type = #tpu.core_type<tc>, window_params = [{transform_indices = @transform_0, window_bounds = array<i64: 2, 1024, 128>}, {transform_indices = @transform_1, window_bounds = array<i64: 1024, 128>}, {transform_indices = @transform_2, window_bounds = array<i64: 1024, 8>}, {pipeline_mode = #tpu.pipeline_mode<synchronous>, transform_indices = @transform_3, window_bounds = array<i64: 1, 128>}, {pipeline_mode = #tpu.pipeline_mode<synchronous>, transform_indices = @transform_4, window_bounds = array<i64: 128, 1>}, {pipeline_mode = #tpu.pipeline_mode<synchronous>, transform_indices = @transform_5, window_bounds = array<i64: 1, 1>}, {transform_indices = @transform_6, window_bounds = array<i64: 1024, 1>}]} {
    %get3A = arith.constant 0 : index
    %get3A_0 = arith.constant 0 : index
    %get3A_1 = arith.constant 0 : index
    %get3A_2 = vector.load %arg1[%get3A, %get3A_0, %get3A_1] : memref<2x1024x128xf32, #tpu.memory_space<vmem>>, vector<1x1024x128xf32>
    %get3A_3 = vector.shape_cast %get3A_2 : vector<1x1024x128xf32> to vector<1024x128xf32>
    %get3A_4 = arith.constant 1 : index
    %get3A_5 = arith.constant 0 : index
    %get3A_6 = arith.constant 0 : index
    %get3A_7 = vector.load %arg1[%get3A_4, %get3A_5, %get3A_6] : memref<2x1024x128xf32, #tpu.memory_space<vmem>>, vector<1x1024x128xf32>
    %get3A_8 = vector.shape_cast %get3A_7 : vector<1x1024x128xf32> to vector<1024x128xf32>
    %add3A = arith.addf %get3A_3, %get3A_8 : vector<1024x128xf32>
    %get3A_9 = arith.constant 0 : index
    %get3A_10 = arith.constant 0 : index
    %get3A_11 = vector.load %arg2[%get3A_9, %get3A_10] : memref<1024x128xf32, #tpu.memory_space<vmem>>, vector<1024x128xf32>
    %add3A_12 = arith.addf %add3A, %get3A_11 : vector<1024x128xf32>
    %get3A_13 = arith.constant 0 : index
    %get3A_14 = arith.constant 0 : index
    %get3A_15 = vector.load %arg3[%get3A_13, %get3A_14] : memref<1024x8xf32, #tpu.memory_space<vmem>>, vector<1024x1xf32>
    %mul3A = vector.broadcast %get3A_15 : vector<1024x1xf32> to vector<1024x128xf32>
    %mul3A_16 = arith.mulf %add3A_12, %mul3A : vector<1024x128xf32>
    %get3A_17 = arith.constant 0 : index
    %get3A_18 = arith.constant 0 : index
    %get3A_19 = vector.load %arg4[%get3A_17, %get3A_18] : memref<1x128xf32, #tpu.memory_space<vmem>>, vector<1x128xf32>
    %add3A_20 = vector.broadcast %get3A_19 : vector<1x128xf32> to vector<1024x128xf32>
    %add3A_21 = arith.addf %mul3A_16, %add3A_20 : vector<1024x128xf32>
    %gt3A = arith.constant 0.000000e+00 : f32
    %gt3A_22 = vector.broadcast %gt3A : f32 to vector<1024x128xf32>
    %gt3A_23 = arith.cmpf ogt, %add3A_21, %gt3A_22 : vector<1024x128xf32>
    %exp3A = math.exp %add3A_21 : vector<1024x128xf32>
    %sub3A = arith.constant 1.000000e+00 : f32
    %sub3A_24 = vector.broadcast %sub3A : f32 to vector<1024x128xf32>
    %sub3A_25 = arith.subf %exp3A, %sub3A_24 : vector<1024x128xf32>
    %select_n3A = arith.select %gt3A_23, %add3A_21, %sub3A_25 : vector<1024x128xi1>, vector<1024x128xf32>
    %get3A_26 = arith.constant 0 : index
    %get3A_27 = arith.constant 0 : index
    %get3A_28 = vector.load %arg5[%get3A_26, %get3A_27] : memref<128x1xf32, #tpu.memory_space<vmem>>, vector<128x1xf32>
    %dot_general3A = arith.constant dense<0.000000e+00> : vector<1024x1xf32>
    %dot_general3A_29 = tpu.matmul %select_n3A, %get3A_28, %dot_general3A {dimension_numbers = #tpu.dot_dimension_numbers<[1], [0], [0], [1], [0, 0, 1, 1], [], []>, transpose_lhs_hint = false} : vector<1024x128xf32>, vector<128x1xf32>, vector<1024x1xf32> -> vector<1024x1xf32>
    %get3A_30 = arith.constant 0 : index
    %get3A_31 = arith.constant 0 : index
    %get3A_32 = vector.load %arg6[%get3A_30, %get3A_31] : memref<1x1xf32, #tpu.memory_space<vmem>>, vector<1x1xf32>
    %add3A_33 = vector.broadcast %get3A_32 : vector<1x1xf32> to vector<1024x1xf32>
    %add3A_34 = arith.addf %dot_general3A_29, %add3A_33 : vector<1024x1xf32>
    %swap3A = arith.constant 0 : index
    %swap3A_35 = arith.constant 0 : index
    %swap3A_36 = vector.load %arg7[%swap3A, %swap3A_35] : memref<1024x1xf32, #tpu.memory_space<vmem>>, vector<1024x1xf32>
    tpu.vector_store %arg7[%swap3A, %swap3A_35], %add3A_34 {strides = array<i32>} : memref<1024x1xf32, #tpu.memory_space<vmem>>, vector<1024x1xf32>,
    return
  }
  func.func @transform_0(%arg0: i32) -> (i32, i32, i32) {
    %c0_i32 = arith.constant 0 : i32
    %c0_i32_0 = arith.constant 0 : i32
    %c0_i32_1 = arith.constant 0 : i32
    return %c0_i32, %arg0, %c0_i32_0 : i32, i32, i32
  }
  func.func @transform_1(%arg0: i32) -> (i32, i32) {
    %c0_i32 = arith.constant 0 : i32
    %c0_i32_0 = arith.constant 0 : i32
    return %arg0, %c0_i32 : i32, i32
  }
  func.func @transform_2(%arg0: i32) -> (i32, i32) {
    %c0_i32 = arith.constant 0 : i32
    %c0_i32_0 = arith.constant 0 : i32
    return %arg0, %c0_i32 : i32, i32
  }
  func.func @transform_3(%arg0: i32) -> (i32, i32) {
    %c0_i32 = arith.constant 0 : i32
    %c0_i32_0 = arith.constant 0 : i32
    %c0_i32_1 = arith.constant 0 : i32
    return %c0_i32, %c0_i32_0 : i32, i32
  }
  func.func @transform_4(%arg0: i32) -> (i32, i32) {
    %c0_i32 = arith.constant 0 : i32
    %c0_i32_0 = arith.constant 0 : i32
    %c0_i32_1 = arith.constant 0 : i32
    return %c0_i32, %c0_i32_0 : i32, i32
  }
  func.func @transform_5(%arg0: i32) -> (i32, i32) {
    %c0_i32 = arith.constant 0 : i32
    %c0_i32_0 = arith.constant 0 : i32
    %c0_i32_1 = arith.constant 0 : i32
    return %c0_i32, %c0_i32_0 : i32, i32
  }
  func.func @transform_6(%arg0: i32) -> (i32, i32) {
    %c0_i32 = arith.constant 0 : i32
    %c0_i32_0 = arith.constant 0 : i32
    return %arg0, %c0_i32 : i32, i32
  }
}

</mosaic_0001>

<sc_bundles>
// kernel: kernel.11.cloned.1.call-start
scs
__scs_entry_jumppad:
0x0: {  	(pc) =	sbr.rel $0x88, $3  }
0x1: {  	(tag) =	ssettag $0x0;
	lr =	simm.s32 $0x1  }
0x2: {  	[smem:$0x3F99] =	sst lr;
	_ =	strace $0xD0000000  }
0x3: {  	_ = 	snop  }
0x4: {  	_ = 	snop  }
0x5: {  	_ = 	snop  }
0x6: {  	_ = 	snop  }
0x7: {  	_ = 	snop  }
__scs_overlays_trampoline_lowered:
0x8: {  	[smem:$0x3FA8] =	sst s0  }
0x9: {  	[smem:$0x3FA9] =	sst s1  }
0xa: {  	[smem:$0x3FAA] =	sst s2  }
0xb: {  	[smem:$0x3FAB] =	sst s3  }
0xc: {  	[smem:$0x3FAC] =	sst s4  }
0xd: {  	[smem:$0x3FAD] =	sst s5  }
0xe: {  	[smem:$0x3FAE] =	sst s6  }
0xf: {  	[smem:$0x3FAF] =	sst s7  }
0x10: {  	[smem:$0x3FB0] =	sst s8  }
0x11: {  	[smem:$0x3FB1] =	sst s9;
	s0 =	simm.s32 @!p0 $0x0  }
0x12: {  	s1 =	sld [smem:$0x3F97];
	s0 =	simm.s32 @p0 $0x1  }
0x13: {  	[smem:$0x3FB2] =	sst s0;
	s0 =	simm.s32 @!p1 $0x0  }
0x14: {  	s2 =	sld [smem:$0x3F96];
	s0 =	simm.s32 @p1 $0x1  }
0x15: {  	[smem:$0x3FB3] =	sst s0;
	s0 =	simm.s32 @!p2 $0x0  }
0x16: {  	s3 =	sld [smem:$0x3FDB];
	s0 =	simm.s32 @p2 $0x1  }
0x17: {  	s4 =	simm.s32 $0x1BF5;
	[smem:$0x3FB5] =	sst s0  }
0x18: {  	s0 =	sld [smem:$0x3F98];
	_ =	swait.ge [sflag:s4], $0x0  }
0x19: {  	s7 =	sld [smem:$0x3F99]  }
0x1a: {  	s8 =	sadd.s32 $0xFFFFE003, lr  }
0x1b: {  	s9 =	sadd.s32 $0xFFFFFEF7, lr;
	s5 =	simm.s32 $0xFFFFFFFF;
	p2 =	slt.u32 s8, $0xFFFFF086  }
0x1c: {  	p1 =	slt.u32 s9, $0xF7A;
	s5 =	simm.s32 @!p2 $0x0  }
0x1d: {  	s5 =	simm.s32 @p1 $0x1;
	p0 =	seq.s32 s7, s2  }
0x1e: {  	s7 =	smul.u32 @!p0 $0xF7A, s2;
	p2 =	seq.s32 @!p0 s5, $0x0  }
0x1f: {  	s9 =	smul.u32 $0xF7A, s1;
	s8 =	simm.s32 @!p0 $0x1BF5;
	p2 =	por !p2, p0  }
0x20: {  	[sflag:s8] =	ssyncset.s32 @!p0 $0xFFFFF086;
	s6 =	sadd.s32 @!p0 s3, s7;
	s7 =	simm.s32 @!p0 $0x108  }
0x21: {  	s3 =	sadd.s32 s3, s9;
	s6 =	sadd.s32 @!p0 $0x88, s6;
	s7 =	simm.s32 @p2 $0x1082  }
0x22: {  	[simem:s7], [sflag:s8] =	dma.local @!p0 [hbm:s6], $0xF7A  }
0x23: {  	s9 =	sor.u32 $0xD0000000, s2;
	s6 =	simm.s32 $0x108;
	_ =	swait.ge @!p0 [sflag:s8], $0x0  }
0x24: {  	s3 =	sadd.s32 $0x88, s3;
	s6 =	simm.s32 @!p1 $0x1082;
	[sflag:s4] =	ssyncset.s32 $0xFFFFF086  }
0x25: {  	[simem:s6], [sflag:s4] =	dma.local [hbm:s3], $0xF7A  }
0x26: {  	[smem:$0x3F99] =	sst s1;
	(tag) =	ssettag s2;
	_ =	strace s9  }
0x27: {  	s1 =	sld [smem:$0x3FA9]  }
0x28: {  	s2 =	sld [smem:$0x3FAA]  }
0x29: {  	s4 =	sld [smem:$0x3FAC]  }
0x2a: {  	p0 =	seq.s32 s5, $0x0;
	s5 =	sld [smem:$0x3FAD]  }
0x2b: {  	s6 =	sld [smem:$0x3FAE]  }
0x2c: {  	s7 =	sld [smem:$0x3FAF]  }
0x2d: {  	s3 =	simm.s32 $0x108;
	s8 =	sld [smem:$0x3FB0]  }
0x2e: {  	s3 =	simm.s32 @!p0 $0x1082;
	s9 =	sld [smem:$0x3FB1]  }
0x2f: {  	lr =	sadd.s32 s0, s3;
	s0 =	sld [smem:$0x3FA8]  }
0x30: {  	s3 =	sld [smem:$0x3FAB]  }
0x31: {  	[smem:$0x3FB4] =	sst s10  }
0x32: {  	s10 =	sld [smem:$0x3FB2];
	_ =	sdelay $0x3  }
0x33: {  	p0 =	seq.s32 s10, $0x1;
	s10 =	sld [smem:$0x3FB4];
	_ =	sdelay $0x3  }
0x34: {  	[smem:$0x3FB4] =	sst s10  }
0x35: {  	s10 =	sld [smem:$0x3FB3];
	_ =	sdelay $0x3  }
0x36: {  	p1 =	seq.s32 s10, $0x1;
	s10 =	sld [smem:$0x3FB4];
	_ =	sdelay $0x3  }
0x37: {  	[smem:$0x3FB4] =	sst s10  }
0x38: {  	s10 =	sld [smem:$0x3FB5]  }
0x39: {  	_ = 	snop;
	(pc) =	sbr.ind lr, $3  }
0x3a: {  	_ = 	snop  }
0x3b: {  	_ = 	snop  }
0x3c: {  	p2 =	seq.s32 s10, $0x1;
	s10 =	sld [smem:$0x3FB4]  }
0x3d: {  	_ =	shalt  }
0x3e: {  	_ =	shalt  }
0x3f: {  	_ =	shalt  }
0x40: {  	_ =	shalt  }
0x41: {  	_ =	shalt  }
0x42: {  	_ =	shalt  }
0x43: {  	_ =	shalt  }
0x44: {  	_ =	shalt  }
0x45: {  	_ =	shalt  }
0x46: {  	_ =	shalt  }
0x47: {  	_ =	shalt  }
0x48: {  	_ =	shalt  }
0x49: {  	_ =	shalt  }
0x4a: {  	_ =	shalt  }
0x4b: {  	_ =	shalt  }
0x4c: {  	_ =	shalt  }
0x4d: {  	_ =	shalt  }
0x4e: {  	_ =	shalt  }
0x4f: {  	_ =	shalt  }
0x50: {  	_ =	shalt  }
0x51: {  	_ =	shalt  }
0x52: {  	_ =	shalt  }
0x53: {  	_ =	shalt  }
0x54: {  	_ =	shalt  }
0x55: {  	_ =	shalt  }
0x56: {  	_ =	shalt  }
0x57: {  	_ =	shalt  }
0x58: {  	_ =	shalt  }
0x59: {  	_ =	shalt  }
0x5a: {  	_ =	shalt  }
0x5b: {  	_ =	shalt  }
0x5c: {  	_ =	shalt  }
0x5d: {  	_ =	shalt  }
0x5e: {  	_ =	shalt  }
0x5f: {  	_ =	shalt  }
0x60: {  	_ =	shalt  }
0x61: {  	_ =	shalt  }
0x62: {  	_ =	shalt  }
0x63: {  	_ =	shalt  }
0x64: {  	_ =	shalt  }
0x65: {  	_ =	shalt  }
0x66: {  	_ =	shalt  }
0x67: {  	_ =	shalt  }
0x68: {  	_ =	shalt  }
0x69: {  	_ =	shalt  }
0x6a: {  	_ =	shalt  }
0x6b: {  	_ =	shalt  }
0x6c: {  	_ =	shalt  }
0x6d: {  	_ =	shalt  }
0x6e: {  	_ =	shalt  }
0x6f: {  	_ =	shalt  }
0x70: {  	_ =	shalt  }
0x71: {  	_ =	shalt  }
0x72: {  	_ =	shalt  }
0x73: {  	_ =	shalt  }
0x74: {  	_ =	shalt  }
0x75: {  	_ =	shalt  }
0x76: {  	_ =	shalt  }
0x77: {  	_ =	shalt  }
0x78: {  	_ =	shalt  }
0x79: {  	_ =	shalt  }
0x7a: {  	_ =	shalt  }
0x7b: {  	_ =	shalt  }
0x7c: {  	_ =	shalt  }
0x7d: {  	_ =	shalt  }
0x7e: {  	_ =	shalt  }
0x7f: {  	_ =	shalt  }
0x80: {  	_ =	shalt  }
0x81: {  	_ =	shalt  }
0x82: {  	_ =	shalt  }
0x83: {  	_ =	shalt  }
0x84: {  	_ =	shalt  }
0x85: {  	_ =	shalt  }
0x86: {  	_ =	shalt  }
0x87: {  	_ =	shalt  }
.Lfunc_end0:
.L_simem_size_0:
called_computation.1_lowered:
.L_overlay_start_0:
0x88: {  	s2 =	sld [smem:$0x3FD9]  }
0x89: {  	s3 =	sld [smem:$0x3FFE];
	_ =	sdelay $0x1  }
0x8a: {  	s1 =	srdreg.scid  }
0x8b: {  	s0 =	sand.u32 $0x1, s1  }
0x8c: {  	s16 =	sshll.u32 s0, $0xA;
	s2 =	sadd.s32 s3, s2  }
0x8d: {  	s2 =	sadd.s32 s2, s16  }
0x8e: {  	[smem:$0x3FC0] =	sst s2  }
0x8f: {  	_ = 	snop  }
0x90: {  	(tm) =	ssettm $0x1  }
0x91: {  	s17 =	sld [smem:$0x3FFB];
	_ =	sdelay $0x3  }
0x92: {  	_ =	strace s17  }
0x93: {  	s2 =	sld [smem:$0x3FFC];
	_ =	sdelay $0x3  }
0x94: {  	_ =	strace s2  }
0x95: {  	s2 =	sld [smem:$0x3FFD];
	_ =	sdelay $0x3  }
0x96: {  	_ =	strace s2  }
0x97: {  	_ =	strace $0x8FFFFFFF  }
0x98: {  	s18 =	sld [smem:$0x3FDB];
	_ =	sdelay $0x1  }
0x99: {  	s19 =	simm.s32 $_scs_section_size  }
0x9a: {  	s4 =	simm.s32 $_size__tile_overlayer_lowered;
	s5 =	simm.s32 $_tile_overlayer_lowered  }
0x9b: {  	s22 =	simm.s32 $0x1BFF;
	s21 =	sshll.u32 s5, $0x1;
	s2 =	sadd.s32 s19, s18  }
0x9c: {  	s6 =	simm.s32 $0x0;
	s20 =	sshll.u32 s4, $0x1;
	s4 =	sadd.s32 s21, s2  }
0x9d: {  	[timem:s6], [sflag:s22] =	dma.local [hbm:s4], s20  }
0x9e: {  	_ =	swait.ge [sflag:s22], s20  }
0x9f: {  	s3 =	ssub.s32 $0x0, s20;
	[sflag:s22] =	ssyncset.done $0x0  }
0xa0: {  	[sflag:s22] =	ssyncadd.s32 s3;
	_ =	sdelay $0x1  }
0xa1: {  	s23 =	simm.s32 $0x1B8B  }
0xa2: {  	_ =	swait.ge [sflag:s23], $0x1  }
0xa3: {  	[sflag:s23] =	ssyncset.done $0x0  }
0xa4: {  	s25 =	simm.s32 $0x1B8E;
	s24 =	sld [smem:$0x3FFE];
	[sflag:s23] =	ssyncadd.s32 $0xFFFFFFFF  }
0xa5: {  	s26 =	simm.s32 $execute0_lowered;
	[smem:$0x3FD2] =	sst s25  }
0xa6: {  	s4 =	sshll.u32 s26, $0x1;
	_ =	strace $0x80000049;
	[dreg:$0x1] =	wrdreg $0xFFFFFFFF  }
0xa7: {  	s28 =	simm.s32 $_size_execute0_lowered;
	s2 =	sadd.s32 s2, s4;
	[dreg:$0x0] =	wrdreg $0x0  }
0xa8: {  	s4 =	sshll.u32 s28, $0x1;
	[dreg:$0x2] =	wrdreg s2  }
0xa9: {  	[dreg:$0x3] =	wrdreg s4  }
0xaa: {  	[dreg:$0x4] =	wrdreg $0xC0  }
0xab: {  	_ =	task [dreg:s6], $0x5FFFF  }
0xac: {  	[dreg:$0x1] =	wrdreg $0xFFFFFFFF  }
0xad: {  	[dreg:$0x0] =	wrdreg $0x60  }
0xae: {  	[dreg:$0x2] =	wrdreg s24  }
0xaf: {  	[dreg:$0x3] =	wrdreg $0xA8000  }
0xb0: {  	[dreg:$0x4] =	wrdreg $0x9  }
0xb1: {  	_ =	task.clear_ibuf [dreg:s6], $0x5FFFF;
	_ =	strace $0x90000049  }
0xb2: {  	s29 =	simm.s32 $0x9;
	_ =	strace $0x8000004B  }
0xb3: {  	_ =	swait.ge [sflag:s29], $0x1  }
0xb4: {  	[sflag:s29] =	ssyncadd.s32 $0xFFFFFFFF  }
0xb5: {  	_ =	strace $0x9000004B  }
0xb6: {  	_ =	sfence  }
0xb7: {  	s30 =	sld [smem:$0x0];
	_ =	sdelay $0x2  }
0xb8: {  	s31 =	sshll.u32 s1, $0xD;
	s1 =	sshrl.u32 s1, $0x2  }
0xb9: {  	s3 =	sand.u32 $0x4000, s31;
	s1 =	sadd.s32 s1, s30  }
0xba: {  	s0 =	sor.u32 s3, s0;
	s1 =	sshll.u32 s1, $0x11  }
0xbb: {  	s0 =	sor.u32 s1, s0  }
0xbc: {  	s0 =	sadd.s32 $0x8F2B, s0  }
0xbd: {  	[sflag:s0] =	ssyncadd.remote.s32 $0x1  }
0xbe: {  	_ =	sfence.sel $0xFFFF  }
0xbf: {  	[dreg:$0x0] =	wrdreg $0xFFFFFFFF;
	(pc) =	sbr.abs _section_cstart, $3  }
0xc0: {  	[dreg:$0x1] =	wrdreg $0xFFFFFFFF  }
0xc1: {  	_ =	task.clear_ibuf [dreg:s6], $0x2FFFF;
	_ =	strace $0x9FFFFFFF  }
0xc2: {  	(tm) =	ssettm $0x7FFFFFFF  }
0xc3: {  	_ =	shalt  }
tec
execute0_lowered:
.L_overlay_start_1:
0x0: {  	(tag) =	ssettag $0x1  }
0x1: {  	s0 =	srdreg.scid  }
0x2: {  	s5 =	rddreg [dreg:$0x0];
	s18 =	sand.u32 $0x1, s0;
	s0 =	stileid.u32  }
0x3: {  	s2 =	rddreg [dreg:$0x1];
	s3 =	simm.s32 $0x0;
	s7 =	smul.u32 $0x50000, s0  }
0x4: {  	[smem:$0x7FF] =	sst s3;
	s19 =	sadd.s32 $0x43A00, s5;
	s16 =	smul.u32 $0x140000, s18  }
0x5: {  	s1 =	sshll.u32 s18, $0x4;
	s23 =	ssub.s32 $0x2, s18;
	s17 =	smul.u32 $0x14000, s0  }
0x6: {  	p0 =	sne.s32 s18, $0x0;
	s18 =	simm.s32 $0x6800;
	s4 =	sor.u32 s0, s1  }
0x7: {  	s1 =	rddreg [dreg:$0x2];
	_ =	strace $0x8000004A;
	s24 =	sshrl.u32 s23, $0x1  }
0x8: {  	s6 =	smul.u32 $0x680, s4;
	s4 =	sadd.s32 $0x1BA00, s5;
	s7 =	sshrl.u32 s7, $0x2  }
0x9: {  	s9 =	ssub.s32 s23, s24;
	s10 =	sadd.s32 s16, s17;
	s15 =	sadd.s32 $0x4000, s17  }
0xa: {  	s20 =	sadd.s32 $0x8000, s17;
	s28 =	sadd.s32 $0xC000, s17;
	s24 =	sadd.s32 $0x10000, s17  }
0xb: {  	s25 =	sshrl.u32 s10, $0x3;
	s9 =	smax.u32 s9, $0x1;
	s13 =	sadd.s32 s16, s15  }
0xc: {  	s21 =	sadd.s32 s16, s20;
	s22 =	sadd.s32 s15, s2;
	s23 =	sadd.s32 s16, s28  }
0xd: {  	s30 =	sadd.s32 s16, s24;
	s8 =	sadd.s32 s6, s5;
	s5 =	sadd.s32 s7, s2  }
0xe: {  	s14 =	sshrl.u32 s13, $0x3;
	s26 =	sshrl.u32 s21, $0x3;
	s29 =	sshrl.u32 s23, $0x3  }
0xf: {  	s31 =	sshrl.u32 s30, $0x3;
	s21 =	simm.s32 $0x3400;
	s22 =	sshrl.u32 s22, $0x3  }
0x10: {  	s6 =	sadd.s32 $0x1A00, s8;
	s7 =	sadd.s32 $0xEA00, s8;
	s8 =	sadd.s32 s19, s25  }
0x11: {  	s10 =	sadd.s32 $0x4000, s5;
	s11 =	sadd.s32 $0x8000, s5;
	s12 =	sadd.s32 $0xC000, s5  }
.Ltmp0:
0x12: {  	s13 =	sadd.s32 $0x10000, s5;
	s14 =	sadd.s32 s19, s14;
	(pc) =	sbr.rel .LBB2_1-.Ltmp0, $4  }
0x13: {  	s15 =	sadd.s32 s19, s26;
	s25 =	sadd.s32 s20, s2;
	s16 =	sadd.s32 s19, s29  }
0x14: {  	s26 =	sadd.s32 s28, s2;
	s17 =	sadd.s32 s19, s31;
	s28 =	sadd.s32 s24, s2  }
0x15: {  	s19 =	simm.s32 $0x2;
	s20 =	simm.s32 $0x1;
	s23 =	sshrl.u32 s25, $0x3  }
0x16: {  	v0 =	vimm.f32 $0.0e+00;
	s24 =	sshrl.u32 s26, $0x3;
	s25 =	sshrl.u32 s28, $0x3;
	s26 =	simm.s32 $0x80  }
.LBB2_9:
0x17: {  	s28 =	sshra.s32 s28, $0x2;
	[sflag:s19] =	ssyncadd.s32 $0xFFFFC000  }
0x18: {  	[tilespmem:s18], [sflag:$0x1] =	stream.indirect.gather [hbm4b:s4+s26], $0x80, s28, s26, $0xb8;
	[tilespmem:$0x1E800] =	vst v63  }
0x19: {  	_ =	swait.ge [sflag:s20], $0x4000  }
0x1a: {  	[sflag:s20] =	ssyncset.done $0x0  }
0x1b: {  	s28 =	sadd.s32 $0x3400, s28;
	[sflag:s20] =	ssyncadd.s32 $0xFFFFC000  }
0x1c: {  	[spmem:s2] =	stream.indirect.scatter.add.f32 [tilespmem:s18], [sflag:$0x2], $0x80, s28, s26, $0xb8;
	[tilespmem:$0x1E800] =	vst v63  }
0x1d: {  	_ =	swait.ge [sflag:s19], $0x4000  }
0x1e: {  	[sflag:s19] =	ssyncset.done $0x0  }
0x1f: {  	[sflag:s19] =	ssyncadd.s32 $0xFFFFC000  }
.LBB2_10:
0x20: {  	s28 =	sshll.u32 s0, $0x6  }
0x21: {  	[bflag:$0x0] =	sbarrier.arrive $0xFFFF;
	s29 =	sshrl.u32 s5, $0x3;
	s28 =	sor.u32 $0x1C02, s28  }
0x22: {  	[hbm:s8], [sflag:s28] =	dma.local [spmem:s29], $0x800  }
0x23: {  	_ =	swait.ge [sflag:s19], $0x800  }
0x24: {  	[sflag:s19] =	ssyncset.done $0x0  }
0x25: {  	[sflag:s19] =	ssyncadd.s32 $0xFFFFF800  }
0x26: {  	[hbm:s14], [sflag:s28] =	dma.local [spmem:s22], $0x800  }
0x27: {  	_ =	swait.ge [sflag:s19], $0x800  }
0x28: {  	[sflag:s19] =	ssyncset.done $0x0  }
0x29: {  	[sflag:s19] =	ssyncadd.s32 $0xFFFFF800  }
0x2a: {  	[hbm:s15], [sflag:s28] =	dma.local [spmem:s23], $0x800  }
0x2b: {  	_ =	swait.ge [sflag:s19], $0x800  }
0x2c: {  	[sflag:s19] =	ssyncset.done $0x0  }
0x2d: {  	[sflag:s19] =	ssyncadd.s32 $0xFFFFF800  }
0x2e: {  	[hbm:s16], [sflag:s28] =	dma.local [spmem:s24], $0x800  }
0x2f: {  	s3 =	sadd.s32 $0x1, s3;
	_ =	swait.ge [sflag:s19], $0x800  }
0x30: {  	p1 =	sne.s32 s3, s9;
	[sflag:s19] =	ssyncset.done $0x0  }
.Ltmp1:
0x31: {  	[sflag:s19] =	ssyncadd.s32 $0xFFFFF800;
	(pc) =	sbr.rel @!p1 .LBB2_11-.Ltmp1, $4  }
0x32: {  	[hbm:s17], [sflag:s28] =	dma.local [spmem:s25], $0x800  }
0x33: {  	_ =	swait.ge [sflag:s19], $0x800  }
0x34: {  	[sflag:s19] =	ssyncset.done $0x0  }
0x35: {  	[sflag:s19] =	ssyncadd.s32 $0xFFFFF800  }
.LBB2_1:
0x36: {  	s28 =	simm.s32 $0x0;
	s29 =	simm.s32 $0x200  }
.LBB2_2:
0x37: {  	p1 =	sne.s32 s29, $0xFE00;
	[tilespmem:s28+$0x6870] =	vst v0  }
0x38: {  	[tilespmem:s28+$0x6800] =	vst v0  }
0x39: {  	[tilespmem:s28+$0x6810] =	vst v0  }
.Ltmp2:
0x3a: {  	[tilespmem:s28+$0x6820] =	vst v0;
	(pc) =	sbr.rel @p1 .LBB2_2-.Ltmp2, $4  }
0x3b: {  	[tilespmem:s28+$0x6830] =	vst v0  }
0x3c: {  	[tilespmem:s28+$0x6840] =	vst v0  }
0x3d: {  	[tilespmem:s28+$0x6850] =	vst v0  }
0x3e: {  	[tilespmem:s28+$0x6860] =	vst v0;
	s28 =	sshra.s32 s29, $0x2;
	s29 =	sadd.s32 $0x200, s29  }
0x3f: {  	[tilespmem:s28+$0x6870] =	vst v0  }
0x40: {  	[tilespmem:s28+$0x6800] =	vst v0  }
0x41: {  	[tilespmem:s28+$0x6810] =	vst v0  }
0x42: {  	[tilespmem:s28+$0x6820] =	vst v0  }
0x43: {  	[tilespmem:s28+$0x6830] =	vst v0  }
0x44: {  	[tilespmem:s28+$0x6840] =	vst v0  }
0x45: {  	[tilespmem:s28+$0x6850] =	vst v0  }
0x46: {  	[tilespmem:s28+$0x6860] =	vst v0  }
0x47: {  	[spmem:s5] =	stream.linear.scatter [tilespmem:s18], [sflag:$0x2], $0x4000, $0x38;
	[tilespmem:$0x1E800] =	vst v63  }
0x48: {  	_ =	swait.ge [sflag:s19], $0x4000  }
0x49: {  	[sflag:s19] =	ssyncset.done $0x0  }
0x4a: {  	[sflag:s19] =	ssyncadd.s32 $0xFFFFC000  }
0x4b: {  	[spmem:s10] =	stream.linear.scatter [tilespmem:s18], [sflag:$0x2], $0x4000, $0x38;
	[tilespmem:$0x1E800] =	vst v63  }
0x4c: {  	_ =	swait.ge [sflag:s19], $0x4000  }
0x4d: {  	[sflag:s19] =	ssyncset.done $0x0  }
0x4e: {  	[sflag:s19] =	ssyncadd.s32 $0xFFFFC000  }
0x4f: {  	[spmem:s11] =	stream.linear.scatter [tilespmem:s18], [sflag:$0x2], $0x4000, $0x38;
	[tilespmem:$0x1E800] =	vst v63  }
0x50: {  	_ =	swait.ge [sflag:s19], $0x4000  }
0x51: {  	[sflag:s19] =	ssyncset.done $0x0  }
0x52: {  	[sflag:s19] =	ssyncadd.s32 $0xFFFFC000  }
0x53: {  	[spmem:s12] =	stream.linear.scatter [tilespmem:s18], [sflag:$0x2], $0x4000, $0x38;
	[tilespmem:$0x1E800] =	vst v63  }
0x54: {  	_ =	swait.ge [sflag:s19], $0x4000  }
0x55: {  	[sflag:s19] =	ssyncset.done $0x0  }
0x56: {  	[sflag:s19] =	ssyncadd.s32 $0xFFFFC000  }
0x57: {  	[spmem:s13] =	stream.linear.scatter [tilespmem:s18], [sflag:$0x2], $0x4000, $0x38;
	[tilespmem:$0x1E800] =	vst v63  }
0x58: {  	_ =	swait.ge [sflag:s19], $0x4000  }
0x59: {  	[sflag:s19] =	ssyncset.done $0x0  }
0x5a: {  	[sflag:s19] =	ssyncadd.s32 $0xFFFFC000  }
0x5b: {  	s28 =	simm.s32 $0x0;
	[bflag:$0x0] =	sbarrier.arrive $0xFFFF  }
0x5c: {  	[tilespmem:s28], [sflag:$0x1] =	stream.linear.gather [hbm4b:s6+s28], $0x3080, $0x38;
	[tilespmem:$0x1E800] =	vst v63  }
0x5d: {  	_ =	swait.ge [sflag:s20], $0x3080  }
0x5e: {  	[sflag:s20] =	ssyncset.done $0x0  }
.Ltmp3:
0x5f: {  	[sflag:s20] =	ssyncadd.s32 $0xFFFFCF80;
	(pc) =	sbr.rel @p0 .LBB2_7-.Ltmp3, $4  }
0x60: {  	[tilespmem:s21], [sflag:$0x1] =	stream.linear.gather [hbm4b:s7+s28], $0x3080, $0x38;
	[tilespmem:$0x1E800] =	vst v63  }
0x61: {  	_ =	swait.ge [sflag:s20], $0x3080  }
0x62: {  	[sflag:s20] =	ssyncset.done $0x0  }
0x63: {  	s28 =	simm.s32 $0x0;
	[sflag:s20] =	ssyncadd.s32 $0xFFFFCF80  }
0x64: {  	[tilespmem:s18], [sflag:$0x1] =	stream.indirect.gather [hbm4b:s4+s26], $0x80, s28, s26, $0xb8;
	[tilespmem:$0x1E800] =	vst v63  }
0x65: {  	_ =	swait.ge [sflag:s20], $0x4000  }
0x66: {  	[sflag:s20] =	ssyncset.done $0x0  }
0x67: {  	s28 =	simm.s32 $0x3400;
	[sflag:s20] =	ssyncadd.s32 $0xFFFFC000  }
0x68: {  	[spmem:s2] =	stream.indirect.scatter.add.f32 [tilespmem:s18], [sflag:$0x2], $0x80, s28, s26, $0xb8;
	[tilespmem:$0x1E800] =	vst v63  }
0x69: {  	_ =	swait.ge [sflag:s19], $0x4000  }
0x6a: {  	s29 =	simm.s32 $0x400;
	s28 =	simm.s32 $0x200;
	[sflag:s19] =	ssyncset.done $0x0  }
.LBB2_5:
0x6b: {  	s30 =	sshra.s32 s28, $0x2  }
0x6c: {  	[sflag:s19] =	ssyncadd.s32 $0xFFFFC000;
	s28 =	smov.u32 s29;
	s31 =	sadd.s32 $0x200, s29  }
0x6d: {  	[tilespmem:s18], [sflag:$0x1] =	stream.indirect.gather [hbm4b:s4+s26], $0x80, s30, s26, $0xb8;
	[tilespmem:$0x1E800] =	vst v63  }
0x6e: {  	p1 =	seq.s32 s29, $0xC000;
	_ =	swait.ge [sflag:s20], $0x4000  }
.Ltmp4:
0x6f: {  	[sflag:s20] =	ssyncset.done $0x0;
	(pc) =	sbr.rel @!p1 .LBB2_5-.Ltmp4, $4  }
0x70: {  	s29 =	sadd.s32 $0x3400, s30;
	[sflag:s20] =	ssyncadd.s32 $0xFFFFC000  }
0x71: {  	[spmem:s2] =	stream.indirect.scatter.add.f32 [tilespmem:s18], [sflag:$0x2], $0x80, s29, s26, $0xb8;
	[tilespmem:$0x1E800] =	vst v63  }
0x72: {  	_ =	swait.ge [sflag:s19], $0x4000  }
0x73: {  	s29 =	smov.u32 s31;
	[sflag:s19] =	ssyncset.done $0x0  }
0x74: {  	s28 =	sshra.s32 s28, $0x2;
	[sflag:s19] =	ssyncadd.s32 $0xFFFFC000  }
0x75: {  	[tilespmem:s18], [sflag:$0x1] =	stream.indirect.gather [hbm4b:s4+s26], $0x80, s28, s26, $0xb8;
	[tilespmem:$0x1E800] =	vst v63  }
0x76: {  	_ =	swait.ge [sflag:s20], $0x4000  }
0x77: {  	[sflag:s20] =	ssyncset.done $0x0  }
.Ltmp5:
0x78: {  	s28 =	sadd.s32 $0x3400, s28;
	[sflag:s20] =	ssyncadd.s32 $0xFFFFC000;
	(pc) =	sbr.rel .LBB2_10-.Ltmp5, $4  }
0x79: {  	[spmem:s2] =	stream.indirect.scatter.add.f32 [tilespmem:s18], [sflag:$0x2], $0x80, s28, s26, $0xb8;
	[tilespmem:$0x1E800] =	vst v63  }
0x7a: {  	_ =	swait.ge [sflag:s19], $0x4000  }
0x7b: {  	[sflag:s19] =	ssyncset.done $0x0  }
0x7c: {  	[sflag:s19] =	ssyncadd.s32 $0xFFFFC000  }
.LBB2_7:
0x7d: {  	[tilespmem:s18], [sflag:$0x1] =	stream.indirect.gather [hbm4b:s4+s26], $0x80, s28, s26, $0xb8;
	[tilespmem:$0x1E800] =	vst v63  }
0x7e: {  	_ =	swait.ge [sflag:s20], $0x4000  }
0x7f: {  	[sflag:s20] =	ssyncset.done $0x0  }
0x80: {  	s28 =	simm.s32 $0x3400;
	[sflag:s20] =	ssyncadd.s32 $0xFFFFC000  }
0x81: {  	[spmem:s2] =	stream.indirect.scatter.add.f32 [tilespmem:s18], [sflag:$0x2], $0x80, s28, s26, $0xb8;
	[tilespmem:$0x1E800] =	vst v63  }
0x82: {  	_ =	swait.ge [sflag:s19], $0x4000  }
0x83: {  	s29 =	simm.s32 $0x400;
	s28 =	simm.s32 $0x200;
	[sflag:s19] =	ssyncset.done $0x0  }
.LBB2_8:
0x84: {  	s30 =	sshra.s32 s28, $0x2  }
0x85: {  	[sflag:s19] =	ssyncadd.s32 $0xFFFFC000;
	s28 =	smov.u32 s29;
	s31 =	sadd.s32 $0x200, s29  }
0x86: {  	[tilespmem:s18], [sflag:$0x1] =	stream.indirect.gather [hbm4b:s4+s26], $0x80, s30, s26, $0xb8;
	[tilespmem:$0x1E800] =	vst v63  }
0x87: {  	p1 =	sne.s32 s29, $0x7600;
	_ =	swait.ge [sflag:s20], $0x4000  }
.Ltmp6:
0x88: {  	[sflag:s20] =	ssyncset.done $0x0;
	(pc) =	sbr.rel @p1 .LBB2_8-.Ltmp6, $4  }
0x89: {  	s29 =	sadd.s32 $0x3400, s30;
	[sflag:s20] =	ssyncadd.s32 $0xFFFFC000  }
0x8a: {  	[spmem:s2] =	stream.indirect.scatter.add.f32 [tilespmem:s18], [sflag:$0x2], $0x80, s29, s26, $0xb8;
	[tilespmem:$0x1E800] =	vst v63  }
0x8b: {  	_ =	swait.ge [sflag:s19], $0x4000  }
0x8c: {  	s29 =	smov.u32 s31;
	[sflag:s19] =	ssyncset.done $0x0  }
.Ltmp7:
0x8d: {  	_ = 	snop;
	(pc) =	sbr.rel .LBB2_9-.Ltmp7, $1  }
0x8e: {  	_ =	sdelay $0x3  }
.LBB2_11:
0x8f: {  	_ =	sfence.sel $0x180000  }
0x90: {  	[bflag:$0x0] =	sbarrier.arrive $0xFFFF  }
0x91: {  	p0 =	sne.s32 s0, $0x0;
	_ =	strace $0x9000004A  }
0x92: {  	s0 =	sadd.s32 @!p0 $0x100000, s1;
	[bflag:$0x2] =	sbarrier.arrive $0xFFFF  }
0x93: {  	[sflag:s0] =	ssyncadd.tile.s32 @!p0 $0x1;
	_ =	shalt  }
.Lfunc_end2:
_tile_overlayer_lowered:
.L_overlay_start_2:
0x94: {  	(tag) =	ssettag $0x2  }
0x95: {  	s0 =	rddreg [dreg:$0x0];
	s2 =	stileid.u32  }
0x96: {  	s1 =	rddreg [dreg:$0x1];
	p0 =	sne.s32 s2, $0x0  }
0x97: {  	s3 =	rddreg [dreg:$0x2];
	[bflag:$0x3] =	sbarrier.arrive $0xFFFF;
	s2 =	simm.s32 @!p0 $0x1C02  }
0x98: {  	[timem:s3], [sflag:s2] =	dma.local @!p0 [hbm:s0], s1  }
0x99: {  	s0 =	simm.s32 @!p0 $0x2  }
0x9a: {  	_ =	swait.ge @!p0 [sflag:s0], s1  }
0x9b: {  	s1 =	ssub.s32 @!p0 $0x0, s1;
	[sflag:s0] =	ssyncset.done @!p0 $0x0  }
0x9c: {  	[sflag:s0] =	ssyncadd.s32 @!p0 s1  }
0x9d: {  	[bflag:$0x3] =	sbarrier.arrive $0xFFFF  }
0x9e: {  	_ =	shalt  }

// kernel: kernel.14.cloned.1.call-start
scs
__scs_entry_jumppad:
0x0: {  	(pc) =	sbr.rel $0x88, $3  }
0x1: {  	(tag) =	ssettag $0x0;
	lr =	simm.s32 $0x1  }
0x2: {  	[smem:$0x3F99] =	sst lr;
	_ =	strace $0xD0000000  }
0x3: {  	_ = 	snop  }
0x4: {  	_ = 	snop  }
0x5: {  	_ = 	snop  }
0x6: {  	_ = 	snop  }
0x7: {  	_ = 	snop  }
__scs_overlays_trampoline_lowered:
0x8: {  	[smem:$0x3FA8] =	sst s0  }
0x9: {  	[smem:$0x3FA9] =	sst s1  }
0xa: {  	[smem:$0x3FAA] =	sst s2  }
0xb: {  	[smem:$0x3FAB] =	sst s3  }
0xc: {  	[smem:$0x3FAC] =	sst s4  }
0xd: {  	[smem:$0x3FAD] =	sst s5  }
0xe: {  	[smem:$0x3FAE] =	sst s6  }
0xf: {  	[smem:$0x3FAF] =	sst s7  }
0x10: {  	[smem:$0x3FB0] =	sst s8  }
0x11: {  	[smem:$0x3FB1] =	sst s9;
	s0 =	simm.s32 @!p0 $0x0  }
0x12: {  	s1 =	sld [smem:$0x3F97];
	s0 =	simm.s32 @p0 $0x1  }
0x13: {  	[smem:$0x3FB2] =	sst s0;
	s0 =	simm.s32 @!p1 $0x0  }
0x14: {  	s2 =	sld [smem:$0x3F96];
	s0 =	simm.s32 @p1 $0x1  }
0x15: {  	[smem:$0x3FB3] =	sst s0;
	s0 =	simm.s32 @!p2 $0x0  }
0x16: {  	s3 =	sld [smem:$0x3FDB];
	s0 =	simm.s32 @p2 $0x1  }
0x17: {  	s4 =	simm.s32 $0x1BF5;
	[smem:$0x3FB5] =	sst s0  }
0x18: {  	s0 =	sld [smem:$0x3F98];
	_ =	swait.ge [sflag:s4], $0x0  }
0x19: {  	s7 =	sld [smem:$0x3F99]  }
0x1a: {  	s8 =	sadd.s32 $0xFFFFE003, lr  }
0x1b: {  	s9 =	sadd.s32 $0xFFFFFEF7, lr;
	s5 =	simm.s32 $0xFFFFFFFF;
	p2 =	slt.u32 s8, $0xFFFFF086  }
0x1c: {  	p1 =	slt.u32 s9, $0xF7A;
	s5 =	simm.s32 @!p2 $0x0  }
0x1d: {  	s5 =	simm.s32 @p1 $0x1;
	p0 =	seq.s32 s7, s2  }
0x1e: {  	s7 =	smul.u32 @!p0 $0xF7A, s2;
	p2 =	seq.s32 @!p0 s5, $0x0  }
0x1f: {  	s9 =	smul.u32 $0xF7A, s1;
	s8 =	simm.s32 @!p0 $0x1BF5;
	p2 =	por !p2, p0  }
0x20: {  	[sflag:s8] =	ssyncset.s32 @!p0 $0xFFFFF086;
	s6 =	sadd.s32 @!p0 s3, s7;
	s7 =	simm.s32 @!p0 $0x108  }
0x21: {  	s3 =	sadd.s32 s3, s9;
	s6 =	sadd.s32 @!p0 $0x88, s6;
	s7 =	simm.s32 @p2 $0x1082  }
0x22: {  	[simem:s7], [sflag:s8] =	dma.local @!p0 [hbm:s6], $0xF7A  }
0x23: {  	s9 =	sor.u32 $0xD0000000, s2;
	s6 =	simm.s32 $0x108;
	_ =	swait.ge @!p0 [sflag:s8], $0x0  }
0x24: {  	s3 =	sadd.s32 $0x88, s3;
	s6 =	simm.s32 @!p1 $0x1082;
	[sflag:s4] =	ssyncset.s32 $0xFFFFF086  }
0x25: {  	[simem:s6], [sflag:s4] =	dma.local [hbm:s3], $0xF7A  }
0x26: {  	[smem:$0x3F99] =	sst s1;
	(tag) =	ssettag s2;
	_ =	strace s9  }
0x27: {  	s1 =	sld [smem:$0x3FA9]  }
0x28: {  	s2 =	sld [smem:$0x3FAA]  }
0x29: {  	s4 =	sld [smem:$0x3FAC]  }
0x2a: {  	p0 =	seq.s32 s5, $0x0;
	s5 =	sld [smem:$0x3FAD]  }
0x2b: {  	s6 =	sld [smem:$0x3FAE]  }
0x2c: {  	s7 =	sld [smem:$0x3FAF]  }
0x2d: {  	s3 =	simm.s32 $0x108;
	s8 =	sld [smem:$0x3FB0]  }
0x2e: {  	s3 =	simm.s32 @!p0 $0x1082;
	s9 =	sld [smem:$0x3FB1]  }
0x2f: {  	lr =	sadd.s32 s0, s3;
	s0 =	sld [smem:$0x3FA8]  }
0x30: {  	s3 =	sld [smem:$0x3FAB]  }
0x31: {  	[smem:$0x3FB4] =	sst s10  }
0x32: {  	s10 =	sld [smem:$0x3FB2];
	_ =	sdelay $0x3  }
0x33: {  	p0 =	seq.s32 s10, $0x1;
	s10 =	sld [smem:$0x3FB4];
	_ =	sdelay $0x3  }
0x34: {  	[smem:$0x3FB4] =	sst s10  }
0x35: {  	s10 =	sld [smem:$0x3FB3];
	_ =	sdelay $0x3  }
0x36: {  	p1 =	seq.s32 s10, $0x1;
	s10 =	sld [smem:$0x3FB4];
	_ =	sdelay $0x3  }
0x37: {  	[smem:$0x3FB4] =	sst s10  }
0x38: {  	s10 =	sld [smem:$0x3FB5]  }
0x39: {  	_ = 	snop;
	(pc) =	sbr.ind lr, $3  }
0x3a: {  	_ = 	snop  }
0x3b: {  	_ = 	snop  }
0x3c: {  	p2 =	seq.s32 s10, $0x1;
	s10 =	sld [smem:$0x3FB4]  }
0x3d: {  	_ =	shalt  }
0x3e: {  	_ =	shalt  }
0x3f: {  	_ =	shalt  }
0x40: {  	_ =	shalt  }
0x41: {  	_ =	shalt  }
0x42: {  	_ =	shalt  }
0x43: {  	_ =	shalt  }
0x44: {  	_ =	shalt  }
0x45: {  	_ =	shalt  }
0x46: {  	_ =	shalt  }
0x47: {  	_ =	shalt  }
0x48: {  	_ =	shalt  }
0x49: {  	_ =	shalt  }
0x4a: {  	_ =	shalt  }
0x4b: {  	_ =	shalt  }
0x4c: {  	_ =	shalt  }
0x4d: {  	_ =	shalt  }
0x4e: {  	_ =	shalt  }
0x4f: {  	_ =	shalt  }
0x50: {  	_ =	shalt  }
0x51: {  	_ =	shalt  }
0x52: {  	_ =	shalt  }
0x53: {  	_ =	shalt  }
0x54: {  	_ =	shalt  }
0x55: {  	_ =	shalt  }
0x56: {  	_ =	shalt  }
0x57: {  	_ =	shalt  }
0x58: {  	_ =	shalt  }
0x59: {  	_ =	shalt  }
0x5a: {  	_ =	shalt  }
0x5b: {  	_ =	shalt  }
0x5c: {  	_ =	shalt  }
0x5d: {  	_ =	shalt  }
0x5e: {  	_ =	shalt  }
0x5f: {  	_ =	shalt  }
0x60: {  	_ =	shalt  }
0x61: {  	_ =	shalt  }
0x62: {  	_ =	shalt  }
0x63: {  	_ =	shalt  }
0x64: {  	_ =	shalt  }
0x65: {  	_ =	shalt  }
0x66: {  	_ =	shalt  }
0x67: {  	_ =	shalt  }
0x68: {  	_ =	shalt  }
0x69: {  	_ =	shalt  }
0x6a: {  	_ =	shalt  }
0x6b: {  	_ =	shalt  }
0x6c: {  	_ =	shalt  }
0x6d: {  	_ =	shalt  }
0x6e: {  	_ =	shalt  }
0x6f: {  	_ =	shalt  }
0x70: {  	_ =	shalt  }
0x71: {  	_ =	shalt  }
0x72: {  	_ =	shalt  }
0x73: {  	_ =	shalt  }
0x74: {  	_ =	shalt  }
0x75: {  	_ =	shalt  }
0x76: {  	_ =	shalt  }
0x77: {  	_ =	shalt  }
0x78: {  	_ =	shalt  }
0x79: {  	_ =	shalt  }
0x7a: {  	_ =	shalt  }
0x7b: {  	_ =	shalt  }
0x7c: {  	_ =	shalt  }
0x7d: {  	_ =	shalt  }
0x7e: {  	_ =	shalt  }
0x7f: {  	_ =	shalt  }
0x80: {  	_ =	shalt  }
0x81: {  	_ =	shalt  }
0x82: {  	_ =	shalt  }
0x83: {  	_ =	shalt  }
0x84: {  	_ =	shalt  }
0x85: {  	_ =	shalt  }
0x86: {  	_ =	shalt  }
0x87: {  	_ =	shalt  }
.Lfunc_end0:
.L_simem_size_0:
called_computation.2_lowered:
.L_overlay_start_0:
0x88: {  	s2 =	sld [smem:$0x3FD9]  }
0x89: {  	s3 =	sld [smem:$0x3FFE];
	_ =	sdelay $0x1  }
0x8a: {  	s1 =	srdreg.scid  }
0x8b: {  	s0 =	sand.u32 $0x1, s1  }
0x8c: {  	s16 =	sshll.u32 s0, $0xA;
	s2 =	sadd.s32 s3, s2  }
0x8d: {  	s2 =	sadd.s32 s2, s16  }
0x8e: {  	[smem:$0x3FC0] =	sst s2  }
0x8f: {  	_ = 	snop  }
0x90: {  	(tm) =	ssettm $0x1  }
0x91: {  	s17 =	sld [smem:$0x3FFB];
	_ =	sdelay $0x3  }
0x92: {  	_ =	strace s17  }
0x93: {  	s2 =	sld [smem:$0x3FFC];
	_ =	sdelay $0x3  }
0x94: {  	_ =	strace s2  }
0x95: {  	s2 =	sld [smem:$0x3FFD];
	_ =	sdelay $0x3  }
0x96: {  	_ =	strace s2  }
0x97: {  	_ =	strace $0x8FFFFFFF  }
0x98: {  	s18 =	sld [smem:$0x3FDB];
	_ =	sdelay $0x1  }
0x99: {  	s19 =	simm.s32 $_scs_section_size  }
0x9a: {  	s4 =	simm.s32 $_size__tile_overlayer_lowered;
	s5 =	simm.s32 $_tile_overlayer_lowered  }
0x9b: {  	s22 =	simm.s32 $0x1BFF;
	s21 =	sshll.u32 s5, $0x1;
	s2 =	sadd.s32 s19, s18  }
0x9c: {  	s6 =	simm.s32 $0x0;
	s20 =	sshll.u32 s4, $0x1;
	s4 =	sadd.s32 s21, s2  }
0x9d: {  	[timem:s6], [sflag:s22] =	dma.local [hbm:s4], s20  }
0x9e: {  	_ =	swait.ge [sflag:s22], s20  }
0x9f: {  	s3 =	ssub.s32 $0x0, s20;
	[sflag:s22] =	ssyncset.done $0x0  }
0xa0: {  	[sflag:s22] =	ssyncadd.s32 s3;
	_ =	sdelay $0x1  }
0xa1: {  	s23 =	simm.s32 $0x1B8B  }
0xa2: {  	_ =	swait.ge [sflag:s23], $0x1  }
0xa3: {  	[sflag:s23] =	ssyncset.done $0x0  }
0xa4: {  	s25 =	simm.s32 $0x1B8E;
	s24 =	sld [smem:$0x3FFE];
	[sflag:s23] =	ssyncadd.s32 $0xFFFFFFFF  }
0xa5: {  	s26 =	simm.s32 $execute0_lowered;
	[smem:$0x3FD2] =	sst s25  }
0xa6: {  	s4 =	sshll.u32 s26, $0x1;
	_ =	strace $0x8000004C;
	[dreg:$0x1] =	wrdreg $0xFFFFFFFF  }
0xa7: {  	s28 =	simm.s32 $_size_execute0_lowered;
	s2 =	sadd.s32 s2, s4;
	[dreg:$0x0] =	wrdreg $0x0  }
0xa8: {  	s4 =	sshll.u32 s28, $0x1;
	[dreg:$0x2] =	wrdreg s2  }
0xa9: {  	[dreg:$0x3] =	wrdreg s4  }
0xaa: {  	[dreg:$0x4] =	wrdreg $0xC0  }
0xab: {  	_ =	task [dreg:s6], $0x5FFFF  }
0xac: {  	[dreg:$0x1] =	wrdreg $0xFFFFFFFF  }
0xad: {  	[dreg:$0x0] =	wrdreg $0x60  }
0xae: {  	[dreg:$0x2] =	wrdreg s24  }
0xaf: {  	[dreg:$0x3] =	wrdreg $0xA8000  }
0xb0: {  	[dreg:$0x4] =	wrdreg $0x9  }
0xb1: {  	_ =	task.clear_ibuf [dreg:s6], $0x5FFFF;
	_ =	strace $0x9000004C  }
0xb2: {  	s29 =	simm.s32 $0x9;
	_ =	strace $0x8000004E  }
0xb3: {  	_ =	swait.ge [sflag:s29], $0x1  }
0xb4: {  	[sflag:s29] =	ssyncadd.s32 $0xFFFFFFFF  }
0xb5: {  	_ =	strace $0x9000004E  }
0xb6: {  	_ =	sfence  }
0xb7: {  	s30 =	sld [smem:$0x0];
	_ =	sdelay $0x2  }
0xb8: {  	s31 =	sshll.u32 s1, $0xD;
	s1 =	sshrl.u32 s1, $0x2  }
0xb9: {  	s3 =	sand.u32 $0x4000, s31;
	s1 =	sadd.s32 s1, s30  }
0xba: {  	s0 =	sor.u32 s3, s0;
	s1 =	sshll.u32 s1, $0x11  }
0xbb: {  	s0 =	sor.u32 s1, s0  }
0xbc: {  	s0 =	sadd.s32 $0x8F2B, s0  }
0xbd: {  	[sflag:s0] =	ssyncadd.remote.s32 $0x1  }
0xbe: {  	_ =	sfence.sel $0xFFFF  }
0xbf: {  	[dreg:$0x0] =	wrdreg $0xFFFFFFFF;
	(pc) =	sbr.abs _section_cstart, $3  }
0xc0: {  	[dreg:$0x1] =	wrdreg $0xFFFFFFFF  }
0xc1: {  	_ =	task.clear_ibuf [dreg:s6], $0x2FFFF;
	_ =	strace $0x9FFFFFFF  }
0xc2: {  	(tm) =	ssettm $0x7FFFFFFF  }
0xc3: {  	_ =	shalt  }
tec
execute0_lowered:
.L_overlay_start_1:
0x0: {  	(tag) =	ssettag $0x1  }
0x1: {  	s0 =	srdreg.scid  }
0x2: {  	s5 =	rddreg [dreg:$0x0];
	s18 =	sand.u32 $0x1, s0;
	s0 =	stileid.u32  }
0x3: {  	s2 =	rddreg [dreg:$0x1];
	s3 =	simm.s32 $0x0;
	s7 =	smul.u32 $0x50000, s0  }
0x4: {  	[smem:$0x7FF] =	sst s3;
	s19 =	sadd.s32 $0x43A00, s5;
	s16 =	smul.u32 $0x140000, s18  }
0x5: {  	s1 =	sshll.u32 s18, $0x4;
	s23 =	ssub.s32 $0x2, s18;
	s17 =	smul.u32 $0x14000, s0  }
0x6: {  	p0 =	sne.s32 s18, $0x0;
	s18 =	simm.s32 $0x6800;
	s4 =	sor.u32 s0, s1  }
0x7: {  	s1 =	rddreg [dreg:$0x2];
	_ =	strace $0x8000004D;
	s24 =	sshrl.u32 s23, $0x1  }
0x8: {  	s6 =	smul.u32 $0x680, s4;
	s4 =	sadd.s32 $0x1BA00, s5;
	s7 =	sshrl.u32 s7, $0x2  }
0x9: {  	s9 =	ssub.s32 s23, s24;
	s10 =	sadd.s32 s16, s17;
	s15 =	sadd.s32 $0x4000, s17  }
0xa: {  	s20 =	sadd.s32 $0x8000, s17;
	s28 =	sadd.s32 $0xC000, s17;
	s24 =	sadd.s32 $0x10000, s17  }
0xb: {  	s25 =	sshrl.u32 s10, $0x3;
	s9 =	smax.u32 s9, $0x1;
	s13 =	sadd.s32 s16, s15  }
0xc: {  	s21 =	sadd.s32 s16, s20;
	s22 =	sadd.s32 s15, s2;
	s23 =	sadd.s32 s16, s28  }
0xd: {  	s30 =	sadd.s32 s16, s24;
	s8 =	sadd.s32 s6, s5;
	s5 =	sadd.s32 s7, s2  }
0xe: {  	s14 =	sshrl.u32 s13, $0x3;
	s26 =	sshrl.u32 s21, $0x3;
	s29 =	sshrl.u32 s23, $0x3  }
0xf: {  	s31 =	sshrl.u32 s30, $0x3;
	s21 =	simm.s32 $0x3400;
	s22 =	sshrl.u32 s22, $0x3  }
0x10: {  	s6 =	sadd.s32 $0x1A00, s8;
	s7 =	sadd.s32 $0xEA00, s8;
	s8 =	sadd.s32 s19, s25  }
0x11: {  	s10 =	sadd.s32 $0x4000, s5;
	s11 =	sadd.s32 $0x8000, s5;
	s12 =	sadd.s32 $0xC000, s5  }
.Ltmp0:
0x12: {  	s13 =	sadd.s32 $0x10000, s5;
	s14 =	sadd.s32 s19, s14;
	(pc) =	sbr.rel .LBB2_1-.Ltmp0, $4  }
0x13: {  	s15 =	sadd.s32 s19, s26;
	s25 =	sadd.s32 s20, s2;
	s16 =	sadd.s32 s19, s29  }
0x14: {  	s26 =	sadd.s32 s28, s2;
	s17 =	sadd.s32 s19, s31;
	s28 =	sadd.s32 s24, s2  }
0x15: {  	s19 =	simm.s32 $0x2;
	s20 =	simm.s32 $0x1;
	s23 =	sshrl.u32 s25, $0x3  }
0x16: {  	v0 =	vimm.f32 $0.0e+00;
	s24 =	sshrl.u32 s26, $0x3;
	s25 =	sshrl.u32 s28, $0x3;
	s26 =	simm.s32 $0x80  }
.LBB2_9:
0x17: {  	s28 =	sshra.s32 s28, $0x2;
	[sflag:s19] =	ssyncadd.s32 $0xFFFFC000  }
0x18: {  	[tilespmem:s18], [sflag:$0x1] =	stream.indirect.gather [hbm4b:s4+s26], $0x80, s28, s26, $0xb8;
	[tilespmem:$0x1E800] =	vst v63  }
0x19: {  	_ =	swait.ge [sflag:s20], $0x4000  }
0x1a: {  	[sflag:s20] =	ssyncset.done $0x0  }
0x1b: {  	s28 =	sadd.s32 $0x3400, s28;
	[sflag:s20] =	ssyncadd.s32 $0xFFFFC000  }
0x1c: {  	[spmem:s2] =	stream.indirect.scatter.add.f32 [tilespmem:s18], [sflag:$0x2], $0x80, s28, s26, $0xb8;
	[tilespmem:$0x1E800] =	vst v63  }
0x1d: {  	_ =	swait.ge [sflag:s19], $0x4000  }
0x1e: {  	[sflag:s19] =	ssyncset.done $0x0  }
0x1f: {  	[sflag:s19] =	ssyncadd.s32 $0xFFFFC000  }
.LBB2_10:
0x20: {  	s28 =	sshll.u32 s0, $0x6  }
0x21: {  	[bflag:$0x0] =	sbarrier.arrive $0xFFFF;
	s29 =	sshrl.u32 s5, $0x3;
	s28 =	sor.u32 $0x1C02, s28  }
0x22: {  	[hbm:s8], [sflag:s28] =	dma.local [spmem:s29], $0x800  }
0x23: {  	_ =	swait.ge [sflag:s19], $0x800  }
0x24: {  	[sflag:s19] =	ssyncset.done $0x0  }
0x25: {  	[sflag:s19] =	ssyncadd.s32 $0xFFFFF800  }
0x26: {  	[hbm:s14], [sflag:s28] =	dma.local [spmem:s22], $0x800  }
0x27: {  	_ =	swait.ge [sflag:s19], $0x800  }
0x28: {  	[sflag:s19] =	ssyncset.done $0x0  }
0x29: {  	[sflag:s19] =	ssyncadd.s32 $0xFFFFF800  }
0x2a: {  	[hbm:s15], [sflag:s28] =	dma.local [spmem:s23], $0x800  }
0x2b: {  	_ =	swait.ge [sflag:s19], $0x800  }
0x2c: {  	[sflag:s19] =	ssyncset.done $0x0  }
0x2d: {  	[sflag:s19] =	ssyncadd.s32 $0xFFFFF800  }
0x2e: {  	[hbm:s16], [sflag:s28] =	dma.local [spmem:s24], $0x800  }
0x2f: {  	s3 =	sadd.s32 $0x1, s3;
	_ =	swait.ge [sflag:s19], $0x800  }
0x30: {  	p1 =	sne.s32 s3, s9;
	[sflag:s19] =	ssyncset.done $0x0  }
.Ltmp1:
0x31: {  	[sflag:s19] =	ssyncadd.s32 $0xFFFFF800;
	(pc) =	sbr.rel @!p1 .LBB2_11-.Ltmp1, $4  }
0x32: {  	[hbm:s17], [sflag:s28] =	dma.local [spmem:s25], $0x800  }
0x33: {  	_ =	swait.ge [sflag:s19], $0x800  }
0x34: {  	[sflag:s19] =	ssyncset.done $0x0  }
0x35: {  	[sflag:s19] =	ssyncadd.s32 $0xFFFFF800  }
.LBB2_1:
0x36: {  	s28 =	simm.s32 $0x0;
	s29 =	simm.s32 $0x200  }
.LBB2_2:
0x37: {  	p1 =	sne.s32 s29, $0xFE00;
	[tilespmem:s28+$0x6870] =	vst v0  }
0x38: {  	[tilespmem:s28+$0x6800] =	vst v0  }
0x39: {  	[tilespmem:s28+$0x6810] =	vst v0  }
.Ltmp2:
0x3a: {  	[tilespmem:s28+$0x6820] =	vst v0;
	(pc) =	sbr.rel @p1 .LBB2_2-.Ltmp2, $4  }
0x3b: {  	[tilespmem:s28+$0x6830] =	vst v0  }
0x3c: {  	[tilespmem:s28+$0x6840] =	vst v0  }
0x3d: {  	[tilespmem:s28+$0x6850] =	vst v0  }
0x3e: {  	[tilespmem:s28+$0x6860] =	vst v0;
	s28 =	sshra.s32 s29, $0x2;
	s29 =	sadd.s32 $0x200, s29  }
0x3f: {  	[tilespmem:s28+$0x6870] =	vst v0  }
0x40: {  	[tilespmem:s28+$0x6800] =	vst v0  }
0x41: {  	[tilespmem:s28+$0x6810] =	vst v0  }
0x42: {  	[tilespmem:s28+$0x6820] =	vst v0  }
0x43: {  	[tilespmem:s28+$0x6830] =	vst v0  }
0x44: {  	[tilespmem:s28+$0x6840] =	vst v0  }
0x45: {  	[tilespmem:s28+$0x6850] =	vst v0  }
0x46: {  	[tilespmem:s28+$0x6860] =	vst v0  }
0x47: {  	[spmem:s5] =	stream.linear.scatter [tilespmem:s18], [sflag:$0x2], $0x4000, $0x38;
	[tilespmem:$0x1E800] =	vst v63  }
0x48: {  	_ =	swait.ge [sflag:s19], $0x4000  }
0x49: {  	[sflag:s19] =	ssyncset.done $0x0  }
0x4a: {  	[sflag:s19] =	ssyncadd.s32 $0xFFFFC000  }
0x4b: {  	[spmem:s10] =	stream.linear.scatter [tilespmem:s18], [sflag:$0x2], $0x4000, $0x38;
	[tilespmem:$0x1E800] =	vst v63  }
0x4c: {  	_ =	swait.ge [sflag:s19], $0x4000  }
0x4d: {  	[sflag:s19] =	ssyncset.done $0x0  }
0x4e: {  	[sflag:s19] =	ssyncadd.s32 $0xFFFFC000  }
0x4f: {  	[spmem:s11] =	stream.linear.scatter [tilespmem:s18], [sflag:$0x2], $0x4000, $0x38;
	[tilespmem:$0x1E800] =	vst v63  }
0x50: {  	_ =	swait.ge [sflag:s19], $0x4000  }
0x51: {  	[sflag:s19] =	ssyncset.done $0x0  }
0x52: {  	[sflag:s19] =	ssyncadd.s32 $0xFFFFC000  }
0x53: {  	[spmem:s12] =	stream.linear.scatter [tilespmem:s18], [sflag:$0x2], $0x4000, $0x38;
	[tilespmem:$0x1E800] =	vst v63  }
0x54: {  	_ =	swait.ge [sflag:s19], $0x4000  }
0x55: {  	[sflag:s19] =	ssyncset.done $0x0  }
0x56: {  	[sflag:s19] =	ssyncadd.s32 $0xFFFFC000  }
0x57: {  	[spmem:s13] =	stream.linear.scatter [tilespmem:s18], [sflag:$0x2], $0x4000, $0x38;
	[tilespmem:$0x1E800] =	vst v63  }
0x58: {  	_ =	swait.ge [sflag:s19], $0x4000  }
0x59: {  	[sflag:s19] =	ssyncset.done $0x0  }
0x5a: {  	[sflag:s19] =	ssyncadd.s32 $0xFFFFC000  }
0x5b: {  	s28 =	simm.s32 $0x0;
	[bflag:$0x0] =	sbarrier.arrive $0xFFFF  }
0x5c: {  	[tilespmem:s28], [sflag:$0x1] =	stream.linear.gather [hbm4b:s6+s28], $0x3080, $0x38;
	[tilespmem:$0x1E800] =	vst v63  }
0x5d: {  	_ =	swait.ge [sflag:s20], $0x3080  }
0x5e: {  	[sflag:s20] =	ssyncset.done $0x0  }
.Ltmp3:
0x5f: {  	[sflag:s20] =	ssyncadd.s32 $0xFFFFCF80;
	(pc) =	sbr.rel @p0 .LBB2_7-.Ltmp3, $4  }
0x60: {  	[tilespmem:s21], [sflag:$0x1] =	stream.linear.gather [hbm4b:s7+s28], $0x3080, $0x38;
	[tilespmem:$0x1E800] =	vst v63  }
0x61: {  	_ =	swait.ge [sflag:s20], $0x3080  }
0x62: {  	[sflag:s20] =	ssyncset.done $0x0  }
0x63: {  	s28 =	simm.s32 $0x0;
	[sflag:s20] =	ssyncadd.s32 $0xFFFFCF80  }
0x64: {  	[tilespmem:s18], [sflag:$0x1] =	stream.indirect.gather [hbm4b:s4+s26], $0x80, s28, s26, $0xb8;
	[tilespmem:$0x1E800] =	vst v63  }
0x65: {  	_ =	swait.ge [sflag:s20], $0x4000  }
0x66: {  	[sflag:s20] =	ssyncset.done $0x0  }
0x67: {  	s28 =	simm.s32 $0x3400;
	[sflag:s20] =	ssyncadd.s32 $0xFFFFC000  }
0x68: {  	[spmem:s2] =	stream.indirect.scatter.add.f32 [tilespmem:s18], [sflag:$0x2], $0x80, s28, s26, $0xb8;
	[tilespmem:$0x1E800] =	vst v63  }
0x69: {  	_ =	swait.ge [sflag:s19], $0x4000  }
0x6a: {  	s29 =	simm.s32 $0x400;
	s28 =	simm.s32 $0x200;
	[sflag:s19] =	ssyncset.done $0x0  }
.LBB2_5:
0x6b: {  	s30 =	sshra.s32 s28, $0x2  }
0x6c: {  	[sflag:s19] =	ssyncadd.s32 $0xFFFFC000;
	s28 =	smov.u32 s29;
	s31 =	sadd.s32 $0x200, s29  }
0x6d: {  	[tilespmem:s18], [sflag:$0x1] =	stream.indirect.gather [hbm4b:s4+s26], $0x80, s30, s26, $0xb8;
	[tilespmem:$0x1E800] =	vst v63  }
0x6e: {  	p1 =	seq.s32 s29, $0xC000;
	_ =	swait.ge [sflag:s20], $0x4000  }
.Ltmp4:
0x6f: {  	[sflag:s20] =	ssyncset.done $0x0;
	(pc) =	sbr.rel @!p1 .LBB2_5-.Ltmp4, $4  }
0x70: {  	s29 =	sadd.s32 $0x3400, s30;
	[sflag:s20] =	ssyncadd.s32 $0xFFFFC000  }
0x71: {  	[spmem:s2] =	stream.indirect.scatter.add.f32 [tilespmem:s18], [sflag:$0x2], $0x80, s29, s26, $0xb8;
	[tilespmem:$0x1E800] =	vst v63  }
0x72: {  	_ =	swait.ge [sflag:s19], $0x4000  }
0x73: {  	s29 =	smov.u32 s31;
	[sflag:s19] =	ssyncset.done $0x0  }
0x74: {  	s28 =	sshra.s32 s28, $0x2;
	[sflag:s19] =	ssyncadd.s32 $0xFFFFC000  }
0x75: {  	[tilespmem:s18], [sflag:$0x1] =	stream.indirect.gather [hbm4b:s4+s26], $0x80, s28, s26, $0xb8;
	[tilespmem:$0x1E800] =	vst v63  }
0x76: {  	_ =	swait.ge [sflag:s20], $0x4000  }
0x77: {  	[sflag:s20] =	ssyncset.done $0x0  }
.Ltmp5:
0x78: {  	s28 =	sadd.s32 $0x3400, s28;
	[sflag:s20] =	ssyncadd.s32 $0xFFFFC000;
	(pc) =	sbr.rel .LBB2_10-.Ltmp5, $4  }
0x79: {  	[spmem:s2] =	stream.indirect.scatter.add.f32 [tilespmem:s18], [sflag:$0x2], $0x80, s28, s26, $0xb8;
	[tilespmem:$0x1E800] =	vst v63  }
0x7a: {  	_ =	swait.ge [sflag:s19], $0x4000  }
0x7b: {  	[sflag:s19] =	ssyncset.done $0x0  }
0x7c: {  	[sflag:s19] =	ssyncadd.s32 $0xFFFFC000  }
.LBB2_7:
0x7d: {  	[tilespmem:s18], [sflag:$0x1] =	stream.indirect.gather [hbm4b:s4+s26], $0x80, s28, s26, $0xb8;
	[tilespmem:$0x1E800] =	vst v63  }
0x7e: {  	_ =	swait.ge [sflag:s20], $0x4000  }
0x7f: {  	[sflag:s20] =	ssyncset.done $0x0  }
0x80: {  	s28 =	simm.s32 $0x3400;
	[sflag:s20] =	ssyncadd.s32 $0xFFFFC000  }
0x81: {  	[spmem:s2] =	stream.indirect.scatter.add.f32 [tilespmem:s18], [sflag:$0x2], $0x80, s28, s26, $0xb8;
	[tilespmem:$0x1E800] =	vst v63  }
0x82: {  	_ =	swait.ge [sflag:s19], $0x4000  }
0x83: {  	s29 =	simm.s32 $0x400;
	s28 =	simm.s32 $0x200;
	[sflag:s19] =	ssyncset.done $0x0  }
.LBB2_8:
0x84: {  	s30 =	sshra.s32 s28, $0x2  }
0x85: {  	[sflag:s19] =	ssyncadd.s32 $0xFFFFC000;
	s28 =	smov.u32 s29;
	s31 =	sadd.s32 $0x200, s29  }
0x86: {  	[tilespmem:s18], [sflag:$0x1] =	stream.indirect.gather [hbm4b:s4+s26], $0x80, s30, s26, $0xb8;
	[tilespmem:$0x1E800] =	vst v63  }
0x87: {  	p1 =	sne.s32 s29, $0x7600;
	_ =	swait.ge [sflag:s20], $0x4000  }
.Ltmp6:
0x88: {  	[sflag:s20] =	ssyncset.done $0x0;
	(pc) =	sbr.rel @p1 .LBB2_8-.Ltmp6, $4  }
0x89: {  	s29 =	sadd.s32 $0x3400, s30;
	[sflag:s20] =	ssyncadd.s32 $0xFFFFC000  }
0x8a: {  	[spmem:s2] =	stream.indirect.scatter.add.f32 [tilespmem:s18], [sflag:$0x2], $0x80, s29, s26, $0xb8;
	[tilespmem:$0x1E800] =	vst v63  }
0x8b: {  	_ =	swait.ge [sflag:s19], $0x4000  }
0x8c: {  	s29 =	smov.u32 s31;
	[sflag:s19] =	ssyncset.done $0x0  }
.Ltmp7:
0x8d: {  	_ = 	snop;
	(pc) =	sbr.rel .LBB2_9-.Ltmp7, $1  }
0x8e: {  	_ =	sdelay $0x3  }
.LBB2_11:
0x8f: {  	_ =	sfence.sel $0x180000  }
0x90: {  	[bflag:$0x0] =	sbarrier.arrive $0xFFFF  }
0x91: {  	p0 =	sne.s32 s0, $0x0;
	_ =	strace $0x9000004D  }
0x92: {  	s0 =	sadd.s32 @!p0 $0x100000, s1;
	[bflag:$0x2] =	sbarrier.arrive $0xFFFF  }
0x93: {  	[sflag:s0] =	ssyncadd.tile.s32 @!p0 $0x1;
	_ =	shalt  }
.Lfunc_end2:
_tile_overlayer_lowered:
.L_overlay_start_2:
0x94: {  	(tag) =	ssettag $0x2  }
0x95: {  	s0 =	rddreg [dreg:$0x0];
	s2 =	stileid.u32  }
0x96: {  	s1 =	rddreg [dreg:$0x1];
	p0 =	sne.s32 s2, $0x0  }
0x97: {  	s3 =	rddreg [dreg:$0x2];
	[bflag:$0x3] =	sbarrier.arrive $0xFFFF;
	s2 =	simm.s32 @!p0 $0x1C02  }
0x98: {  	[timem:s3], [sflag:s2] =	dma.local @!p0 [hbm:s0], s1  }
0x99: {  	s0 =	simm.s32 @!p0 $0x2  }
0x9a: {  	_ =	swait.ge @!p0 [sflag:s0], s1  }
0x9b: {  	s1 =	ssub.s32 @!p0 $0x0, s1;
	[sflag:s0] =	ssyncset.done @!p0 $0x0  }
0x9c: {  	[sflag:s0] =	ssyncadd.s32 @!p0 s1  }
0x9d: {  	[bflag:$0x3] =	sbarrier.arrive $0xFFFF  }
0x9e: {  	_ =	shalt  }

// kernel: kernel.8.cloned.1.call-start
scs
__scs_entry_jumppad:
0x0: {  	(pc) =	sbr.rel $0x88, $3  }
0x1: {  	(tag) =	ssettag $0x0;
	lr =	simm.s32 $0x1  }
0x2: {  	[smem:$0x3F99] =	sst lr;
	_ =	strace $0xD0000000  }
0x3: {  	_ = 	snop  }
0x4: {  	_ = 	snop  }
0x5: {  	_ = 	snop  }
0x6: {  	_ = 	snop  }
0x7: {  	_ = 	snop  }
__scs_overlays_trampoline_lowered:
0x8: {  	[smem:$0x3FA8] =	sst s0  }
0x9: {  	[smem:$0x3FA9] =	sst s1  }
0xa: {  	[smem:$0x3FAA] =	sst s2  }
0xb: {  	[smem:$0x3FAB] =	sst s3  }
0xc: {  	[smem:$0x3FAC] =	sst s4  }
0xd: {  	[smem:$0x3FAD] =	sst s5  }
0xe: {  	[smem:$0x3FAE] =	sst s6  }
0xf: {  	[smem:$0x3FAF] =	sst s7  }
0x10: {  	[smem:$0x3FB0] =	sst s8  }
0x11: {  	[smem:$0x3FB1] =	sst s9;
	s0 =	simm.s32 @!p0 $0x0  }
0x12: {  	s1 =	sld [smem:$0x3F97];
	s0 =	simm.s32 @p0 $0x1  }
0x13: {  	[smem:$0x3FB2] =	sst s0;
	s0 =	simm.s32 @!p1 $0x0  }
0x14: {  	s2 =	sld [smem:$0x3F96];
	s0 =	simm.s32 @p1 $0x1  }
0x15: {  	[smem:$0x3FB3] =	sst s0;
	s0 =	simm.s32 @!p2 $0x0  }
0x16: {  	s3 =	sld [smem:$0x3FDB];
	s0 =	simm.s32 @p2 $0x1  }
0x17: {  	s4 =	simm.s32 $0x1BF5;
	[smem:$0x3FB5] =	sst s0  }
0x18: {  	s0 =	sld [smem:$0x3F98];
	_ =	swait.ge [sflag:s4], $0x0  }
0x19: {  	s7 =	sld [smem:$0x3F99]  }
0x1a: {  	s8 =	sadd.s32 $0xFFFFE003, lr  }
0x1b: {  	s9 =	sadd.s32 $0xFFFFFEF7, lr;
	s5 =	simm.s32 $0xFFFFFFFF;
	p2 =	slt.u32 s8, $0xFFFFF086  }
0x1c: {  	p1 =	slt.u32 s9, $0xF7A;
	s5 =	simm.s32 @!p2 $0x0  }
0x1d: {  	s5 =	simm.s32 @p1 $0x1;
	p0 =	seq.s32 s7, s2  }
0x1e: {  	s7 =	smul.u32 @!p0 $0xF7A, s2;
	p2 =	seq.s32 @!p0 s5, $0x0  }
0x1f: {  	s9 =	smul.u32 $0xF7A, s1;
	s8 =	simm.s32 @!p0 $0x1BF5;
	p2 =	por !p2, p0  }
0x20: {  	[sflag:s8] =	ssyncset.s32 @!p0 $0xFFFFF086;
	s6 =	sadd.s32 @!p0 s3, s7;
	s7 =	simm.s32 @!p0 $0x108  }
0x21: {  	s3 =	sadd.s32 s3, s9;
	s6 =	sadd.s32 @!p0 $0x88, s6;
	s7 =	simm.s32 @p2 $0x1082  }
0x22: {  	[simem:s7], [sflag:s8] =	dma.local @!p0 [hbm:s6], $0xF7A  }
0x23: {  	s9 =	sor.u32 $0xD0000000, s2;
	s6 =	simm.s32 $0x108;
	_ =	swait.ge @!p0 [sflag:s8], $0x0  }
0x24: {  	s3 =	sadd.s32 $0x88, s3;
	s6 =	simm.s32 @!p1 $0x1082;
	[sflag:s4] =	ssyncset.s32 $0xFFFFF086  }
0x25: {  	[simem:s6], [sflag:s4] =	dma.local [hbm:s3], $0xF7A  }
0x26: {  	[smem:$0x3F99] =	sst s1;
	(tag) =	ssettag s2;
	_ =	strace s9  }
0x27: {  	s1 =	sld [smem:$0x3FA9]  }
0x28: {  	s2 =	sld [smem:$0x3FAA]  }
0x29: {  	s4 =	sld [smem:$0x3FAC]  }
0x2a: {  	p0 =	seq.s32 s5, $0x0;
	s5 =	sld [smem:$0x3FAD]  }
0x2b: {  	s6 =	sld [smem:$0x3FAE]  }
0x2c: {  	s7 =	sld [smem:$0x3FAF]  }
0x2d: {  	s3 =	simm.s32 $0x108;
	s8 =	sld [smem:$0x3FB0]  }
0x2e: {  	s3 =	simm.s32 @!p0 $0x1082;
	s9 =	sld [smem:$0x3FB1]  }
0x2f: {  	lr =	sadd.s32 s0, s3;
	s0 =	sld [smem:$0x3FA8]  }
0x30: {  	s3 =	sld [smem:$0x3FAB]  }
0x31: {  	[smem:$0x3FB4] =	sst s10  }
0x32: {  	s10 =	sld [smem:$0x3FB2];
	_ =	sdelay $0x3  }
0x33: {  	p0 =	seq.s32 s10, $0x1;
	s10 =	sld [smem:$0x3FB4];
	_ =	sdelay $0x3  }
0x34: {  	[smem:$0x3FB4] =	sst s10  }
0x35: {  	s10 =	sld [smem:$0x3FB3];
	_ =	sdelay $0x3  }
0x36: {  	p1 =	seq.s32 s10, $0x1;
	s10 =	sld [smem:$0x3FB4];
	_ =	sdelay $0x3  }
0x37: {  	[smem:$0x3FB4] =	sst s10  }
0x38: {  	s10 =	sld [smem:$0x3FB5]  }
0x39: {  	_ = 	snop;
	(pc) =	sbr.ind lr, $3  }
0x3a: {  	_ = 	snop  }
0x3b: {  	_ = 	snop  }
0x3c: {  	p2 =	seq.s32 s10, $0x1;
	s10 =	sld [smem:$0x3FB4]  }
0x3d: {  	_ =	shalt  }
0x3e: {  	_ =	shalt  }
0x3f: {  	_ =	shalt  }
0x40: {  	_ =	shalt  }
0x41: {  	_ =	shalt  }
0x42: {  	_ =	shalt  }
0x43: {  	_ =	shalt  }
0x44: {  	_ =	shalt  }
0x45: {  	_ =	shalt  }
0x46: {  	_ =	shalt  }
0x47: {  	_ =	shalt  }
0x48: {  	_ =	shalt  }
0x49: {  	_ =	shalt  }
0x4a: {  	_ =	shalt  }
0x4b: {  	_ =	shalt  }
0x4c: {  	_ =	shalt  }
0x4d: {  	_ =	shalt  }
0x4e: {  	_ =	shalt  }
0x4f: {  	_ =	shalt  }
0x50: {  	_ =	shalt  }
0x51: {  	_ =	shalt  }
0x52: {  	_ =	shalt  }
0x53: {  	_ =	shalt  }
0x54: {  	_ =	shalt  }
0x55: {  	_ =	shalt  }
0x56: {  	_ =	shalt  }
0x57: {  	_ =	shalt  }
0x58: {  	_ =	shalt  }
0x59: {  	_ =	shalt  }
0x5a: {  	_ =	shalt  }
0x5b: {  	_ =	shalt  }
0x5c: {  	_ =	shalt  }
0x5d: {  	_ =	shalt  }
0x5e: {  	_ =	shalt  }
0x5f: {  	_ =	shalt  }
0x60: {  	_ =	shalt  }
0x61: {  	_ =	shalt  }
0x62: {  	_ =	shalt  }
0x63: {  	_ =	shalt  }
0x64: {  	_ =	shalt  }
0x65: {  	_ =	shalt  }
0x66: {  	_ =	shalt  }
0x67: {  	_ =	shalt  }
0x68: {  	_ =	shalt  }
0x69: {  	_ =	shalt  }
0x6a: {  	_ =	shalt  }
0x6b: {  	_ =	shalt  }
0x6c: {  	_ =	shalt  }
0x6d: {  	_ =	shalt  }
0x6e: {  	_ =	shalt  }
0x6f: {  	_ =	shalt  }
0x70: {  	_ =	shalt  }
0x71: {  	_ =	shalt  }
0x72: {  	_ =	shalt  }
0x73: {  	_ =	shalt  }
0x74: {  	_ =	shalt  }
0x75: {  	_ =	shalt  }
0x76: {  	_ =	shalt  }
0x77: {  	_ =	shalt  }
0x78: {  	_ =	shalt  }
0x79: {  	_ =	shalt  }
0x7a: {  	_ =	shalt  }
0x7b: {  	_ =	shalt  }
0x7c: {  	_ =	shalt  }
0x7d: {  	_ =	shalt  }
0x7e: {  	_ =	shalt  }
0x7f: {  	_ =	shalt  }
0x80: {  	_ =	shalt  }
0x81: {  	_ =	shalt  }
0x82: {  	_ =	shalt  }
0x83: {  	_ =	shalt  }
0x84: {  	_ =	shalt  }
0x85: {  	_ =	shalt  }
0x86: {  	_ =	shalt  }
0x87: {  	_ =	shalt  }
.Lfunc_end0:
.L_simem_size_0:
called_computation_lowered:
.L_overlay_start_0:
0x88: {  	s2 =	sld [smem:$0x3FD9]  }
0x89: {  	s3 =	sld [smem:$0x3FFE];
	_ =	sdelay $0x1  }
0x8a: {  	s1 =	srdreg.scid  }
0x8b: {  	s0 =	sand.u32 $0x1, s1  }
0x8c: {  	s16 =	sshll.u32 s0, $0xA;
	s2 =	sadd.s32 s3, s2  }
0x8d: {  	s2 =	sadd.s32 s2, s16  }
0x8e: {  	[smem:$0x3FC0] =	sst s2  }
0x8f: {  	_ = 	snop  }
0x90: {  	(tm) =	ssettm $0x1  }
0x91: {  	s17 =	sld [smem:$0x3FFB];
	_ =	sdelay $0x3  }
0x92: {  	_ =	strace s17  }
0x93: {  	s2 =	sld [smem:$0x3FFC];
	_ =	sdelay $0x3  }
0x94: {  	_ =	strace s2  }
0x95: {  	s2 =	sld [smem:$0x3FFD];
	_ =	sdelay $0x3  }
0x96: {  	_ =	strace s2  }
0x97: {  	_ =	strace $0x8FFFFFFF  }
0x98: {  	s18 =	sld [smem:$0x3FDB];
	_ =	sdelay $0x1  }
0x99: {  	s19 =	simm.s32 $_scs_section_size  }
0x9a: {  	s4 =	simm.s32 $_size__tile_overlayer_lowered;
	s5 =	simm.s32 $_tile_overlayer_lowered  }
0x9b: {  	s22 =	simm.s32 $0x1BFF;
	s21 =	sshll.u32 s5, $0x1;
	s2 =	sadd.s32 s19, s18  }
0x9c: {  	s6 =	simm.s32 $0x0;
	s20 =	sshll.u32 s4, $0x1;
	s4 =	sadd.s32 s21, s2  }
0x9d: {  	[timem:s6], [sflag:s22] =	dma.local [hbm:s4], s20  }
0x9e: {  	_ =	swait.ge [sflag:s22], s20  }
0x9f: {  	s3 =	ssub.s32 $0x0, s20;
	[sflag:s22] =	ssyncset.done $0x0  }
0xa0: {  	[sflag:s22] =	ssyncadd.s32 s3;
	_ =	sdelay $0x1  }
0xa1: {  	s23 =	simm.s32 $0x1B8B  }
0xa2: {  	_ =	swait.ge [sflag:s23], $0x1  }
0xa3: {  	[sflag:s23] =	ssyncset.done $0x0  }
0xa4: {  	s25 =	simm.s32 $0x1B8E;
	s24 =	sld [smem:$0x3FFE];
	[sflag:s23] =	ssyncadd.s32 $0xFFFFFFFF  }
0xa5: {  	s26 =	simm.s32 $execute0_lowered;
	[smem:$0x3FD2] =	sst s25  }
0xa6: {  	s4 =	sshll.u32 s26, $0x1;
	_ =	strace $0x80000046;
	[dreg:$0x1] =	wrdreg $0xFFFFFFFF  }
0xa7: {  	s28 =	simm.s32 $_size_execute0_lowered;
	s2 =	sadd.s32 s2, s4;
	[dreg:$0x0] =	wrdreg $0x0  }
0xa8: {  	s4 =	sshll.u32 s28, $0x1;
	[dreg:$0x2] =	wrdreg s2  }
0xa9: {  	[dreg:$0x3] =	wrdreg s4  }
0xaa: {  	[dreg:$0x4] =	wrdreg $0xC0  }
0xab: {  	_ =	task [dreg:s6], $0x5FFFF  }
0xac: {  	[dreg:$0x1] =	wrdreg $0xFFFFFFFF  }
0xad: {  	[dreg:$0x0] =	wrdreg $0x60  }
0xae: {  	[dreg:$0x2] =	wrdreg s24  }
0xaf: {  	[dreg:$0x3] =	wrdreg $0xB4000  }
0xb0: {  	[dreg:$0x4] =	wrdreg $0x9  }
0xb1: {  	_ =	task.clear_ibuf [dreg:s6], $0x5FFFF;
	_ =	strace $0x90000046  }
0xb2: {  	s29 =	simm.s32 $0x9;
	_ =	strace $0x80000048  }
0xb3: {  	_ =	swait.ge [sflag:s29], $0x1  }
0xb4: {  	[sflag:s29] =	ssyncadd.s32 $0xFFFFFFFF  }
0xb5: {  	_ =	strace $0x90000048  }
0xb6: {  	_ =	sfence  }
0xb7: {  	s30 =	sld [smem:$0x0];
	_ =	sdelay $0x2  }
0xb8: {  	s31 =	sshll.u32 s1, $0xD;
	s1 =	sshrl.u32 s1, $0x2  }
0xb9: {  	s3 =	sand.u32 $0x4000, s31;
	s1 =	sadd.s32 s1, s30  }
0xba: {  	s0 =	sor.u32 s3, s0;
	s1 =	sshll.u32 s1, $0x11  }
0xbb: {  	s0 =	sor.u32 s1, s0  }
0xbc: {  	s0 =	sadd.s32 $0x8F2B, s0  }
0xbd: {  	[sflag:s0] =	ssyncadd.remote.s32 $0x1  }
0xbe: {  	_ =	sfence.sel $0xFFFF  }
0xbf: {  	[dreg:$0x0] =	wrdreg $0xFFFFFFFF;
	(pc) =	sbr.abs _section_cstart, $3  }
0xc0: {  	[dreg:$0x1] =	wrdreg $0xFFFFFFFF  }
0xc1: {  	_ =	task.clear_ibuf [dreg:s6], $0x2FFFF;
	_ =	strace $0x9FFFFFFF  }
0xc2: {  	(tm) =	ssettm $0x7FFFFFFF  }
0xc3: {  	_ =	shalt  }
tec
execute0_lowered:
.L_overlay_start_1:
0x0: {  	(tag) =	ssettag $0x1  }
0x1: {  	s4 =	rddreg [dreg:$0x0]  }
0x2: {  	s0 =	srdreg.scid;
	s2 =	rddreg [dreg:$0x1]  }
0x3: {  	s3 =	simm.s32 $0x0;
	s16 =	sand.u32 $0x1, s0;
	s0 =	stileid.u32  }
0x4: {  	[smem:$0x7FF] =	sst s3;
	s6 =	smul.u32 $0x50000, s0  }
0x5: {  	s17 =	sadd.s32 $0x1BA00, s4;
	s1 =	sshll.u32 s16, $0x4;
	s14 =	smul.u32 $0x140000, s16  }
0x6: {  	s7 =	ssub.s32 $0x2, s16;
	s15 =	smul.u32 $0x14000, s0;
	p0 =	sne.s32 s16, $0x0  }
0x7: {  	s16 =	simm.s32 $0x7400;
	s1 =	sor.u32 s0, s1;
	s23 =	sshrl.u32 s7, $0x1  }
0x8: {  	s5 =	smul.u32 $0x680, s1;
	s1 =	rddreg [dreg:$0x2];
	_ =	strace $0x80000047  }
0x9: {  	s7 =	ssub.s32 s7, s23;
	s24 =	sshrl.u32 s6, $0x2;
	s25 =	sadd.s32 s14, s15  }
0xa: {  	s13 =	sadd.s32 $0x4000, s15;
	s18 =	sadd.s32 $0x8000, s15;
	s28 =	sadd.s32 $0xC000, s15  }
0xb: {  	s22 =	sadd.s32 $0x10000, s15;
	s6 =	sshrl.u32 s25, $0x3;
	s7 =	smax.u32 s7, $0x1  }
0xc: {  	s11 =	sadd.s32 s14, s13;
	s19 =	sadd.s32 s14, s18;
	s21 =	sadd.s32 s13, s2  }
0xd: {  	s20 =	sadd.s32 s14, s28;
	s23 =	sadd.s32 s18, s2;
	s30 =	sadd.s32 s14, s22  }
0xe: {  	s25 =	sadd.s32 s22, s2;
	s18 =	simm.s32 $0x1;
	s5 =	sadd.s32 s5, s4  }
0xf: {  	s4 =	sadd.s32 s24, s2;
	s6 =	sadd.s32 s17, s6;
	s12 =	sshrl.u32 s11, $0x3  }
0x10: {  	s26 =	sshrl.u32 s19, $0x3;
	s29 =	sshrl.u32 s20, $0x3;
	s24 =	sadd.s32 s28, s2  }
0x11: {  	s31 =	sshrl.u32 s30, $0x3;
	s19 =	simm.s32 $0x80;
	s20 =	simm.s32 $0x3400  }
.Ltmp0:
0x12: {  	s21 =	sshrl.u32 s21, $0x3;
	s22 =	sshrl.u32 s23, $0x3;
	(pc) =	sbr.rel .LBB2_1-.Ltmp0, $4  }
0x13: {  	s5 =	sadd.s32 $0xEA00, s5;
	s8 =	sadd.s32 $0x4000, s4;
	s9 =	sadd.s32 $0x8000, s4  }
0x14: {  	s10 =	sadd.s32 $0xC000, s4;
	s11 =	sadd.s32 $0x10000, s4;
	s12 =	sadd.s32 s17, s12  }
0x15: {  	s13 =	sadd.s32 s17, s26;
	s14 =	sadd.s32 s17, s29;
	s15 =	sadd.s32 s17, s31  }
0x16: {  	v0 =	vimm.f32 $1.000000000e+00;
	v1 =	vimm.f32 $0.0e+00;
	s17 =	simm.s32 $0x2;
	s23 =	sshrl.u32 s24, $0x3;
	s24 =	sshrl.u32 s25, $0x3  }
.LBB2_9:
0x17: {  	[sflag:s17] =	ssyncadd.s32 $0xFFFFC000  }
.LBB2_10:
0x18: {  	s25 =	sshll.u32 s0, $0x6  }
0x19: {  	[bflag:$0x0] =	sbarrier.arrive $0xFFFF;
	s26 =	sshrl.u32 s4, $0x3;
	s25 =	sor.u32 $0x1C02, s25  }
0x1a: {  	[hbm:s6], [sflag:s25] =	dma.local [spmem:s26], $0x800  }
0x1b: {  	_ =	swait.ge [sflag:s17], $0x800  }
0x1c: {  	[sflag:s17] =	ssyncset.done $0x0  }
0x1d: {  	[sflag:s17] =	ssyncadd.s32 $0xFFFFF800  }
0x1e: {  	[hbm:s12], [sflag:s25] =	dma.local [spmem:s21], $0x800  }
0x1f: {  	_ =	swait.ge [sflag:s17], $0x800  }
0x20: {  	[sflag:s17] =	ssyncset.done $0x0  }
0x21: {  	[sflag:s17] =	ssyncadd.s32 $0xFFFFF800  }
0x22: {  	[hbm:s13], [sflag:s25] =	dma.local [spmem:s22], $0x800  }
0x23: {  	_ =	swait.ge [sflag:s17], $0x800  }
0x24: {  	[sflag:s17] =	ssyncset.done $0x0  }
0x25: {  	[sflag:s17] =	ssyncadd.s32 $0xFFFFF800  }
0x26: {  	[hbm:s14], [sflag:s25] =	dma.local [spmem:s23], $0x800  }
0x27: {  	s3 =	sadd.s32 $0x1, s3;
	_ =	swait.ge [sflag:s17], $0x800  }
0x28: {  	p1 =	sne.s32 s3, s7;
	[sflag:s17] =	ssyncset.done $0x0  }
.Ltmp1:
0x29: {  	[sflag:s17] =	ssyncadd.s32 $0xFFFFF800;
	(pc) =	sbr.rel @!p1 .LBB2_11-.Ltmp1, $4  }
0x2a: {  	[hbm:s15], [sflag:s25] =	dma.local [spmem:s24], $0x800  }
0x2b: {  	_ =	swait.ge [sflag:s17], $0x800  }
0x2c: {  	[sflag:s17] =	ssyncset.done $0x0  }
0x2d: {  	[sflag:s17] =	ssyncadd.s32 $0xFFFFF800  }
.LBB2_1:
0x2e: {  	s25 =	simm.s32 $0x0;
	s26 =	simm.s32 $0x200  }
.LBB2_2:
0x2f: {  	p1 =	sne.s32 s26, $0xFE00;
	[tilespmem:s25+$0x7470] =	vst v1  }
0x30: {  	[tilespmem:s25+$0x3400] =	vst v0  }
0x31: {  	[tilespmem:s25+$0x7400] =	vst v1  }
0x32: {  	[tilespmem:s25+$0x3410] =	vst v0  }
0x33: {  	[tilespmem:s25+$0x7410] =	vst v1  }
0x34: {  	[tilespmem:s25+$0x3420] =	vst v0  }
0x35: {  	[tilespmem:s25+$0x7420] =	vst v1  }
0x36: {  	[tilespmem:s25+$0x3430] =	vst v0  }
0x37: {  	[tilespmem:s25+$0x7430] =	vst v1  }
0x38: {  	[tilespmem:s25+$0x3440] =	vst v0  }
0x39: {  	[tilespmem:s25+$0x7440] =	vst v1  }
.Ltmp2:
0x3a: {  	[tilespmem:s25+$0x3450] =	vst v0;
	(pc) =	sbr.rel @p1 .LBB2_2-.Ltmp2, $4  }
0x3b: {  	[tilespmem:s25+$0x7450] =	vst v1  }
0x3c: {  	[tilespmem:s25+$0x3460] =	vst v0  }
0x3d: {  	[tilespmem:s25+$0x7460] =	vst v1  }
0x3e: {  	[tilespmem:s25+$0x3470] =	vst v0;
	s25 =	sshra.s32 s26, $0x2;
	s26 =	sadd.s32 $0x200, s26  }
0x3f: {  	[tilespmem:s25+$0x7470] =	vst v1  }
0x40: {  	[tilespmem:s25+$0x3400] =	vst v0  }
0x41: {  	[tilespmem:s25+$0x7400] =	vst v1  }
0x42: {  	[tilespmem:s25+$0x3410] =	vst v0  }
0x43: {  	[tilespmem:s25+$0x7410] =	vst v1  }
0x44: {  	[tilespmem:s25+$0x3420] =	vst v0  }
0x45: {  	[tilespmem:s25+$0x7420] =	vst v1  }
0x46: {  	[tilespmem:s25+$0x3430] =	vst v0  }
0x47: {  	[tilespmem:s25+$0x7430] =	vst v1  }
0x48: {  	[tilespmem:s25+$0x3440] =	vst v0  }
0x49: {  	[tilespmem:s25+$0x7440] =	vst v1  }
0x4a: {  	[tilespmem:s25+$0x3450] =	vst v0  }
0x4b: {  	[tilespmem:s25+$0x7450] =	vst v1  }
0x4c: {  	[tilespmem:s25+$0x3460] =	vst v0  }
0x4d: {  	[tilespmem:s25+$0x7460] =	vst v1  }
0x4e: {  	[tilespmem:s25+$0x3470] =	vst v0  }
0x4f: {  	[spmem:s4] =	stream.linear.scatter [tilespmem:s16], [sflag:$0x2], $0x4000, $0x38;
	[tilespmem:$0x1F400] =	vst v63  }
0x50: {  	_ =	swait.ge [sflag:s17], $0x4000  }
0x51: {  	[sflag:s17] =	ssyncset.done $0x0  }
0x52: {  	[sflag:s17] =	ssyncadd.s32 $0xFFFFC000  }
0x53: {  	[spmem:s8] =	stream.linear.scatter [tilespmem:s16], [sflag:$0x2], $0x4000, $0x38;
	[tilespmem:$0x1F400] =	vst v63  }
0x54: {  	_ =	swait.ge [sflag:s17], $0x4000  }
0x55: {  	[sflag:s17] =	ssyncset.done $0x0  }
0x56: {  	[sflag:s17] =	ssyncadd.s32 $0xFFFFC000  }
0x57: {  	[spmem:s9] =	stream.linear.scatter [tilespmem:s16], [sflag:$0x2], $0x4000, $0x38;
	[tilespmem:$0x1F400] =	vst v63  }
0x58: {  	_ =	swait.ge [sflag:s17], $0x4000  }
0x59: {  	[sflag:s17] =	ssyncset.done $0x0  }
0x5a: {  	[sflag:s17] =	ssyncadd.s32 $0xFFFFC000  }
0x5b: {  	[spmem:s10] =	stream.linear.scatter [tilespmem:s16], [sflag:$0x2], $0x4000, $0x38;
	[tilespmem:$0x1F400] =	vst v63  }
0x5c: {  	_ =	swait.ge [sflag:s17], $0x4000  }
0x5d: {  	[sflag:s17] =	ssyncset.done $0x0  }
0x5e: {  	[sflag:s17] =	ssyncadd.s32 $0xFFFFC000  }
0x5f: {  	[spmem:s11] =	stream.linear.scatter [tilespmem:s16], [sflag:$0x2], $0x4000, $0x38;
	[tilespmem:$0x1F400] =	vst v63  }
0x60: {  	_ =	swait.ge [sflag:s17], $0x4000  }
0x61: {  	[sflag:s17] =	ssyncset.done $0x0  }
0x62: {  	[sflag:s17] =	ssyncadd.s32 $0xFFFFC000  }
.Ltmp3:
0x63: {  	s25 =	simm.s32 $0x0;
	[bflag:$0x0] =	sbarrier.arrive $0xFFFF;
	(pc) =	sbr.rel @p0 .LBB2_7-.Ltmp3, $4  }
0x64: {  	[tilespmem:s25], [sflag:$0x1] =	stream.linear.gather [hbm4b:s5+s25], $0x3080, $0x38;
	[tilespmem:$0x1F400] =	vst v63  }
0x65: {  	_ =	swait.ge [sflag:s18], $0x3080  }
0x66: {  	[sflag:s18] =	ssyncset.done $0x0  }
0x67: {  	s26 =	sshra.s32 s25, $0x2;
	[sflag:s18] =	ssyncadd.s32 $0xFFFFCF80  }
0x68: {  	[spmem:s2] =	stream.indirect.scatter.add.f32 [tilespmem:s20], [sflag:$0x2], $0x80, s26, s19, $0xb8;
	[tilespmem:$0x1F400] =	vst v63  }
0x69: {  	_ =	swait.ge [sflag:s17], $0x4000  }
0x6a: {  	s25 =	sadd.s32 $0x200, s25;
	[sflag:s17] =	ssyncset.done $0x0  }
.LBB2_5:
0x6b: {  	s26 =	sshra.s32 s25, $0x2;
	[sflag:s17] =	ssyncadd.s32 $0xFFFFC000;
	p1 =	seq.s32 s25, $0xC000  }
0x6c: {  	[spmem:s2] =	stream.indirect.scatter.add.f32 [tilespmem:s20], [sflag:$0x2], $0x80, s26, s19, $0xb8;
	[tilespmem:$0x1F400] =	vst v63  }
.Ltmp4:
0x6d: {  	_ = 	snop;
	(pc) =	sbr.rel @!p1 .LBB2_5-.Ltmp4, $4  }
0x6e: {  	_ = 	snop  }
0x6f: {  	s25 =	sadd.s32 $0x200, s25  }
0x70: {  	_ =	swait.ge [sflag:s17], $0x4000  }
0x71: {  	[sflag:s17] =	ssyncset.done $0x0  }
.Ltmp5:
0x72: {  	(pc) =	sbr.rel .LBB2_10-.Ltmp5, $2  }
0x73: {  	_ =	sdelay $0x2  }
0x74: {  	[sflag:s17] =	ssyncadd.s32 $0xFFFFC000  }
.LBB2_7:
0x75: {  	[spmem:s2] =	stream.indirect.scatter.add.f32 [tilespmem:s20], [sflag:$0x2], $0x80, s26, s19, $0xb8;
	[tilespmem:$0x1F400] =	vst v63  }
0x76: {  	_ =	swait.ge [sflag:s17], $0x4000  }
0x77: {  	s25 =	sadd.s32 $0x200, s25;
	[sflag:s17] =	ssyncset.done $0x0  }
.LBB2_8:
0x78: {  	s26 =	sshra.s32 s25, $0x2;
	[sflag:s17] =	ssyncadd.s32 $0xFFFFC000;
	p1 =	sne.s32 s25, $0x7600  }
0x79: {  	[spmem:s2] =	stream.indirect.scatter.add.f32 [tilespmem:s20], [sflag:$0x2], $0x80, s26, s19, $0xb8;
	[tilespmem:$0x1F400] =	vst v63  }
.Ltmp6:
0x7a: {  	_ = 	snop;
	(pc) =	sbr.rel @p1 .LBB2_8-.Ltmp6, $4  }
0x7b: {  	_ = 	snop  }
0x7c: {  	s25 =	sadd.s32 $0x200, s25  }
0x7d: {  	_ =	swait.ge [sflag:s17], $0x4000  }
0x7e: {  	[sflag:s17] =	ssyncset.done $0x0  }
.Ltmp7:
0x7f: {  	_ = 	snop;
	(pc) =	sbr.rel .LBB2_9-.Ltmp7, $1  }
0x80: {  	_ =	sdelay $0x3  }
.LBB2_11:
0x81: {  	_ =	sfence.sel $0x180000  }
0x82: {  	[bflag:$0x0] =	sbarrier.arrive $0xFFFF  }
0x83: {  	p0 =	sne.s32 s0, $0x0;
	_ =	strace $0x90000047  }
0x84: {  	s0 =	sadd.s32 @!p0 $0x100000, s1;
	[bflag:$0x2] =	sbarrier.arrive $0xFFFF  }
0x85: {  	[sflag:s0] =	ssyncadd.tile.s32 @!p0 $0x1;
	_ =	shalt  }
.Lfunc_end2:
_tile_overlayer_lowered:
.L_overlay_start_2:
0x86: {  	(tag) =	ssettag $0x2  }
0x87: {  	s0 =	rddreg [dreg:$0x0];
	s2 =	stileid.u32  }
0x88: {  	s1 =	rddreg [dreg:$0x1];
	p0 =	sne.s32 s2, $0x0  }
0x89: {  	s3 =	rddreg [dreg:$0x2];
	[bflag:$0x3] =	sbarrier.arrive $0xFFFF;
	s2 =	simm.s32 @!p0 $0x1C02  }
0x8a: {  	[timem:s3], [sflag:s2] =	dma.local @!p0 [hbm:s0], s1  }
0x8b: {  	s0 =	simm.s32 @!p0 $0x2  }
0x8c: {  	_ =	swait.ge @!p0 [sflag:s0], s1  }
0x8d: {  	s1 =	ssub.s32 @!p0 $0x0, s1;
	[sflag:s0] =	ssyncset.done @!p0 $0x0  }
0x8e: {  	[sflag:s0] =	ssyncadd.s32 @!p0 s1  }
0x8f: {  	[bflag:$0x3] =	sbarrier.arrive $0xFFFF  }
0x90: {  	_ =	shalt  }

</sc_bundles>
